<compile_context>
chip_gen: v7x
topology: tpu7x:2x2x1
jax: 0.10.2.dev20260603
libtpu: 0.0.44.dev20260713+nightly
codegen_flags: <defaults>
</compile_context>

<pallas_src>
import functools

import jax
import jax.numpy as jnp
from jax import lax
from jax.experimental import pallas as pl
from jax.experimental.pallas import tpu as pltpu
from jax.experimental.pallas import tpu_sc as plsc

N = 4096
D = 256
K = 8192
P = 48
P_PAD = 128

N_TILE = 512
K_TILE = 512
N_GRID = N // N_TILE
K_GRID = K // K_TILE
SUB_UNROLL = 16


def _encode_quantize_body(x_ref, wet_ref, eb_ref, cb_ref, wd_ref, bias_ref,
                          idx_ref, loss_ref, cw_ref, cnh_ref):
    n = pl.program_id(0)

    @pl.when(n == 0)
    def _once():
        for i in range(K_GRID):
            cb_i = cb_ref[pl.ds(i * K_TILE, K_TILE), :]
            cnh_ref[i] = 0.5 * jnp.sum(cb_i * cb_i, axis=1, keepdims=True)
        cw_ref[...] = (jnp.dot(cb_ref[...], wd_ref[...],
                               preferred_element_type=jnp.float32)
                       + bias_ref[...])

    xb = x_ref[0, :, 0]
    pT = (xb.reshape(3, 16, 4, 32, 4)
            .transpose(0, 2, 4, 1, 3)
            .reshape(P, N_TILE))
    zT = jnp.dot(wet_ref[...], pT, preferred_element_type=jnp.float32)
    zT = jnp.maximum(zT + eb_ref[...], 0.0)

    def sub(i, carry):
        maxval, argid = carry
        off = i * K_TILE
        cb_i = cb_ref[pl.ds(off, K_TILE), :]
        tT = (jnp.dot(cb_i, zT, preferred_element_type=jnp.float32)
              - cnh_ref[i])
        cm = jnp.max(tT, axis=0, keepdims=True)
        iota = lax.broadcasted_iota(jnp.int32, tT.shape, 0)
        li = (jnp.min(jnp.where(tT == cm, iota, K_TILE),
                      axis=0, keepdims=True) + off)
        better = cm > maxval
        return (jnp.where(better, cm, maxval),
                jnp.where(better, li, argid))

    maxval0 = jnp.full((1, N_TILE), -jnp.inf, dtype=jnp.float32)
    argid0 = jnp.zeros((1, N_TILE), dtype=jnp.int32)
    maxval, argid = lax.fori_loop(0, K_GRID, sub, (maxval0, argid0),
                                  unroll=SUB_UNROLL)

    idx_ref[0] = argid
    part = jnp.sum(zT * zT) - 2.0 * jnp.sum(maxval)
    prev = jnp.where(n == 0, 0.0, loss_ref[0, 0])
    tot = prev + part
    scale = jnp.where(n == N_GRID - 1, 1.25 / (N * D), 1.0)
    loss_ref[0, 0] = tot * scale


def _encode_quantize(x5, WeT, enc_b, codebook, Wd, bias_patch):
    return pl.pallas_call(
        _encode_quantize_body,
        grid=(N_GRID,),
        in_specs=[
            pl.BlockSpec((1, 3, 1, 64, 128),
                         lambda n: (n // 2, 0, n % 2, 0, 0)),
            pl.BlockSpec((D, P), lambda n: (0, 0)),
            pl.BlockSpec((D, 1), lambda n: (0, 0)),
            pl.BlockSpec((K, D), lambda n: (0, 0)),
            pl.BlockSpec((D, P_PAD), lambda n: (0, 0)),
            pl.BlockSpec((1, P_PAD), lambda n: (0, 0)),
        ],
        out_specs=[
            pl.BlockSpec((1, 1, N_TILE), lambda n: (n, 0, 0)),
            pl.BlockSpec((1, 1), lambda n: (0, 0),
                         memory_space=pltpu.SMEM),
            pl.BlockSpec((K, P_PAD), lambda n: (0, 0)),
        ],
        out_shape=[
            jax.ShapeDtypeStruct((N_GRID, 1, N_TILE), jnp.int32),
            jax.ShapeDtypeStruct((1, 1), jnp.float32),
            jax.ShapeDtypeStruct((K, P_PAD), jnp.float32),
        ],
        scratch_shapes=[
            pltpu.VMEM((K_GRID, K_TILE, 1), jnp.float32),
        ],
    )(x5, WeT, enc_b, codebook, Wd, bias_patch)


@functools.lru_cache(maxsize=1)
def _make_sc_gather():
    info = plsc.get_sparse_core_info()
    nw = info.num_cores * info.num_subcores
    b_per_w = N // nw
    mesh = plsc.VectorSubcoreMesh(core_axis_name="c", subcore_axis_name="s")

    @functools.partial(
        pl.kernel, mesh=mesh,
        out_type=jax.ShapeDtypeStruct((N, P_PAD), jnp.float32),
        scratch_types=[
            pltpu.VMEM((b_per_w,), jnp.int32),
            pltpu.VMEM((b_per_w, P_PAD), jnp.float32),
            pltpu.SemaphoreType.DMA,
        ],
    )
    def gather_kernel(table_hbm, idx_hbm, out_hbm, idx_v, rows_v, sem):
        wid = lax.axis_index("s") * info.num_cores + lax.axis_index("c")
        base = wid * b_per_w
        pltpu.sync_copy(idx_hbm.at[pl.ds(base, b_per_w)], idx_v)
        pltpu.async_copy(table_hbm.at[idx_v], rows_v, sem).wait()
        pltpu.sync_copy(rows_v, out_hbm.at[pl.ds(base, b_per_w)])

    return gather_kernel


def _unpatchify_body(r_ref, o_ref):
    rp = r_ref[...][:, :P]
    o_ref[0, :, 0] = (rp.reshape(16, 32, 3, 4, 4)
                        .transpose(2, 0, 3, 1, 4)
                        .reshape(3, 64, 128))


def _unpatchify(rp):
    return pl.pallas_call(
        _unpatchify_body,
        grid=(N_GRID,),
        in_specs=[pl.BlockSpec((N_TILE, P_PAD), lambda n: (n, 0))],
        out_specs=pl.BlockSpec((1, 3, 1, 64, 128),
                               lambda n: (n // 2, 0, n % 2, 0, 0)),
        out_shape=jax.ShapeDtypeStruct((4, 3, 2, 64, 128), jnp.float32),
    )(rp)


def kernel(x, enc_W, enc_b, codebook, dec_W, dec_b):
    B = x.shape[0]
    x5 = x.reshape(B, 3, 2, 64, 128)
    WeT = enc_W.reshape(D, P)
    Wd = dec_W[:, :, ::-1, ::-1].transpose(1, 0, 2, 3).reshape(D, P)
    Wd = jnp.concatenate([Wd, jnp.zeros((D, P_PAD - P), Wd.dtype)], axis=1)
    bias_patch = jnp.concatenate(
        [jnp.repeat(dec_b, 16), jnp.zeros((P_PAD - P,), dec_b.dtype)]
    ).reshape(1, P_PAD)

    idx, loss, cw = _encode_quantize(x5, WeT, enc_b.reshape(D, 1),
                                     codebook, Wd, bias_patch)
    recon_p = _make_sc_gather()(cw, idx.reshape(N))
    recon = _unpatchify(recon_p).reshape(B, 3, 128, 128)
    return recon, loss[0, 0]

# --- scband reference (transcript-rebuilt; emitter-appended) ---
"""Pipeline reference for scband-vqvae-45174466019371 (READ-ONLY COPY).

The authoritative reference and input builder live on the scoring server;
editing this copy changes nothing except your own understanding.
"""

import jax, jax.numpy as jnp
import numpy as np
from jax import lax

def setup_inputs(seed: int = 0) -> dict:
    key = jax.random.key(seed)
    ks = jax.random.split(key, 6)
    x = jax.random.normal(ks[0], (4, 3, 128, 128), dtype=jnp.float32)
    enc_W = jax.random.normal(ks[1], (256, 3, 4, 4), dtype=jnp.float32) * 0.05
    enc_b = jnp.zeros((256,), dtype=jnp.float32)
    codebook = jax.random.normal(ks[2], (8192, 256), dtype=jnp.float32) * 0.05
    dec_W = jax.random.normal(ks[3], (3, 256, 4, 4), dtype=jnp.float32) * 0.05
    dec_b = jnp.zeros((3,), dtype=jnp.float32)
    return {"x": x, "enc_W": enc_W, "enc_b": enc_b, "codebook": codebook, "dec_W": dec_W, "dec_b": dec_b}

def reference(x, enc_W, enc_b, codebook, dec_W, dec_b):
    commitment_cost = 0.25
    # encoder: strided conv (stride 4) 3 -> 256 channels, 128x128 -> 32x32
    z = lax.conv_general_dilated(x, enc_W, window_strides=(4, 4), padding='SAME',
                                 dimension_numbers=('NCHW', 'OIHW', 'NCHW'))
    z = z + enc_b[None, :, None, None]
    z = jax.nn.relu(z)
    B, D, H, W = z.shape
    # quantizer: nearest-neighbor lookup against codebook [K, D]
    z_flat = jnp.transpose(z, (0, 2, 3, 1)).reshape(-1, D)  # [N, D]
    dists = (jnp.sum(z_flat ** 2, axis=1, keepdims=True)
             + jnp.sum(codebook ** 2, axis=1)[None, :]
             - 2.0 * (z_flat @ codebook.T))  # [N, K]
    idx = jnp.argmin(dists, axis=1)  # [N]
    q = jnp.take(codebook, idx, axis=0)  # [N, D]
    e_latent_loss = jnp.mean((lax.stop_gradient(q) - z_flat) ** 2)
    q_latent_loss = jnp.mean((q - lax.stop_gradient(z_flat)) ** 2)
    vq_loss = q_latent_loss + commitment_cost * e_latent_loss
    # straight-through estimator
    q_st = z_flat + lax.stop_gradient(q - z_flat)
    q_spatial = jnp.transpose(q_st.reshape(B, H, W, D), (0, 3, 1, 2))  # [B, D, H, W]
    # decoder: transposed conv (stride 4) 256 -> 3 channels, 32x32 -> 128x128
    recon = lax.conv_transpose(q_spatial, dec_W, strides=(4, 4), padding='SAME',
                               dimension_numbers=('NCHW', 'OIHW', 'NCHW'))
    recon = recon + dec_b[None, :, None, None]
    return recon, vq_loss

if __name__ == "__main__":
    import jax
    _d = setup_inputs()
    print(jax.jit(kernel)(*tuple(_d.values())))

</pallas_src>

<mosaic_0001>
#map = affine_map<(d0, d1) -> (0, 0)>
#map1 = affine_map<(d0, d1) -> (0)>
module attributes {stable_mosaic.version = 14 : i64} {
  func.func @gather_kernel(%arg0: i32, %arg1: i32, %arg2: memref<8192x128xf32, #tpu.memory_space<hbm>>, %arg3: memref<4096xi32, #tpu.memory_space<hbm>>, %arg4: memref<4096x128xf32, #tpu.memory_space<hbm>>, %arg5: memref<128xi32, #tpu.memory_space<vmem>>, %arg6: memref<128x128xf32, #tpu.memory_space<vmem>>, %arg7: memref<!tpu.dma_semaphore, #tpu.memory_space<semaphore_mem>>) attributes {dimension_semantics = [#tpu.dimension_semantics<core_parallel>, #tpu.dimension_semantics<subcore_parallel>], iteration_bounds = array<i64: 2, 16>, scalar_prefetch = 0 : i64, scratch_operands = 3 : i64, tpu.core_type = #tpu.core_type<sc_vector_subcore>, window_params = [{transform_indices = #map}, {transform_indices = #map1}, {transform_indices = #map}]} {
    %mul3A = arith.constant 2 : i32
    %mul3A_0 = arith.muli %arg1, %mul3A : i32
    %add3A = arith.addi %mul3A_0, %arg0 : i32
    %mul3A_1 = arith.constant 128 : i32
    %mul3A_2 = arith.muli %add3A, %mul3A_1 : i32
    "tpu.region"() ({
      %run_scoped3A = tpu.sem_alloc : memref<!tpu.dma_semaphore, #tpu.memory_space<semaphore_mem>>
      %dma_start3A_7 = tpu.memref_slice %arg3[%mul3A_2] : memref<4096xi32, #tpu.memory_space<hbm>> -> memref<128xi32, #tpu.memory_space<hbm>>
      %dma_start3A_8 = tpu.memref_slice %arg3[%mul3A_2] : memref<4096xi32, #tpu.memory_space<hbm>> -> memref<128xi32, #tpu.memory_space<hbm>>
      tpu.enqueue_dma source(%dma_start3A_8 : memref<128xi32, #tpu.memory_space<hbm>>) target(%arg5 : memref<128xi32, #tpu.memory_space<vmem>>) target_semaphore(%run_scoped3A : memref<!tpu.dma_semaphore, #tpu.memory_space<semaphore_mem>>)
      %dma_wait3A_9 = tpu.memref_slice %arg3[%mul3A_2] : memref<4096xi32, #tpu.memory_space<hbm>> -> memref<128xi32, #tpu.memory_space<hbm>>
      %dma_wait3A_10 = tpu.memref_slice %arg3[%mul3A_2] : memref<4096xi32, #tpu.memory_space<hbm>> -> memref<128xi32, #tpu.memory_space<hbm>>
      tpu.wait_dma2 semaphore(%run_scoped3A : memref<!tpu.dma_semaphore, #tpu.memory_space<semaphore_mem>>) src(%dma_wait3A_10 : memref<128xi32, #tpu.memory_space<hbm>>) dst(%arg5 : memref<128xi32, #tpu.memory_space<vmem>>)
      tpu.yield
    }) : () -> ()
    %dma_start3A = arith.constant 0 : i32
    %dma_start3A_3 = arith.constant 0 : i32
    %dma_start3A_4 = tpu.memref_slice %arg2[%dma_start3A, %dma_start3A_3] : memref<8192x128xf32, #tpu.memory_space<hbm>> -> memref<8192x128xf32, #tpu.memory_space<hbm>>
    tpu.enqueue_indirect_dma source(%dma_start3A_4 : memref<8192x128xf32, #tpu.memory_space<hbm>>) target(%arg6 : memref<128x128xf32, #tpu.memory_space<vmem>>) offsets(%arg5 : memref<128xi32, #tpu.memory_space<vmem>>) semaphore(%arg7 : memref<!tpu.dma_semaphore, #tpu.memory_space<semaphore_mem>>)
    %dma_wait3A = arith.constant 0 : i32
    %dma_wait3A_5 = arith.constant 0 : i32
    %dma_wait3A_6 = tpu.memref_slice %arg2[%dma_wait3A, %dma_wait3A_5] : memref<8192x128xf32, #tpu.memory_space<hbm>> -> memref<8192x128xf32, #tpu.memory_space<hbm>>
    tpu.wait_indirect_dma semaphore(%arg7 : memref<!tpu.dma_semaphore, #tpu.memory_space<semaphore_mem>>) src(%dma_wait3A_6 : memref<8192x128xf32, #tpu.memory_space<hbm>>) dst(%arg6 : memref<128x128xf32, #tpu.memory_space<vmem>>)
    "tpu.region"() ({
      %run_scoped3A = tpu.sem_alloc : memref<!tpu.dma_semaphore, #tpu.memory_space<semaphore_mem>>
      %dma_start3A_7 = arith.constant 0 : i32
      %dma_start3A_8 = tpu.memref_slice %arg4[%mul3A_2, %dma_start3A_7] : memref<4096x128xf32, #tpu.memory_space<hbm>> -> memref<128x128xf32, #tpu.memory_space<hbm>>
      %dma_start3A_9 = arith.constant 0 : i32
      %dma_start3A_10 = tpu.memref_slice %arg4[%mul3A_2, %dma_start3A_9] : memref<4096x128xf32, #tpu.memory_space<hbm>> -> memref<128x128xf32, #tpu.memory_space<hbm>>
      tpu.enqueue_dma source(%arg6 : memref<128x128xf32, #tpu.memory_space<vmem>>) target(%dma_start3A_10 : memref<128x128xf32, #tpu.memory_space<hbm>>) target_semaphore(%run_scoped3A : memref<!tpu.dma_semaphore, #tpu.memory_space<semaphore_mem>>)
      %dma_wait3A_11 = arith.constant 0 : i32
      %dma_wait3A_12 = tpu.memref_slice %arg4[%mul3A_2, %dma_wait3A_11] : memref<4096x128xf32, #tpu.memory_space<hbm>> -> memref<128x128xf32, #tpu.memory_space<hbm>>
      %dma_wait3A_13 = arith.constant 0 : i32
      %dma_wait3A_14 = tpu.memref_slice %arg4[%mul3A_2, %dma_wait3A_13] : memref<4096x128xf32, #tpu.memory_space<hbm>> -> memref<128x128xf32, #tpu.memory_space<hbm>>
      tpu.wait_dma2 semaphore(%run_scoped3A : memref<!tpu.dma_semaphore, #tpu.memory_space<semaphore_mem>>) src(%arg6 : memref<128x128xf32, #tpu.memory_space<vmem>>) dst(%dma_wait3A_14 : memref<128x128xf32, #tpu.memory_space<hbm>>)
      tpu.yield
    }) : () -> ()
    return
  }
}

module attributes {stable_mosaic.version = 14 : i64} {
  func.func @_unpatchify_body(%arg0: i32, %arg1: memref<512x128xf32, #tpu.memory_space<vmem>>, %arg2: memref<1x3x1x64x128xf32, #tpu.memory_space<vmem>>) attributes {dimension_semantics = [#tpu.dimension_semantics<arbitrary>], iteration_bounds = array<i64: 8>, scalar_prefetch = 0 : i64, scratch_operands = 0 : i64, tpu.core_type = #tpu.core_type<tc>, window_params = [{transform_indices = @transform_0, window_bounds = array<i64: 512, 128>}, {transform_indices = @transform_1, window_bounds = array<i64: 1, 3, 1, 64, 128>}]} {
    %get3A = arith.constant 0 : index
    %get3A_0 = arith.constant 0 : index
    %get3A_1 = vector.load %arg1[%get3A, %get3A_0] : memref<512x128xf32, #tpu.memory_space<vmem>>, vector<512x128xf32>
    %slice3A = vector.extract_strided_slice %get3A_1 {offsets = [0, 0], sizes = [512, 48], strides = [1, 1]} : vector<512x128xf32> to vector<512x48xf32>
    %reshape3A = vector.shape_cast %slice3A : vector<512x48xf32> to vector<16x32x3x4x4xf32>
    %transpose3A = tpu.transpose %reshape3A, [2, 0, 3, 1, 4] : vector<16x32x3x4x4xf32> -> vector<3x16x4x32x4xf32>
    %reshape3A_2 = vector.shape_cast %transpose3A : vector<3x16x4x32x4xf32> to vector<3x64x128xf32>
    %swap3A = arith.constant 0 : index
    %swap3A_3 = arith.constant 0 : index
    %swap3A_4 = arith.constant 0 : index
    %swap3A_5 = arith.constant 0 : index
    %swap3A_6 = arith.constant 0 : index
    %swap3A_7 = vector.load %arg2[%swap3A, %swap3A_3, %swap3A_4, %swap3A_5, %swap3A_6] : memref<1x3x1x64x128xf32, #tpu.memory_space<vmem>>, vector<1x3x1x64x128xf32>
    %swap3A_8 = vector.shape_cast %swap3A_7 : vector<1x3x1x64x128xf32> to vector<3x64x128xf32>
    %swap3A_9 = vector.shape_cast %reshape3A_2 : vector<3x64x128xf32> to vector<1x3x1x64x128xf32>
    tpu.vector_store %arg2[%swap3A, %swap3A_3, %swap3A_4, %swap3A_5, %swap3A_6], %swap3A_9 {strides = array<i32>} : memref<1x3x1x64x128xf32, #tpu.memory_space<vmem>>, vector<1x3x1x64x128xf32>,
    return
  }
  func.func @transform_0(%arg0: i32) -> (i32, i32) {
    %c0_i32 = arith.constant 0 : i32
    %c0_i32_0 = arith.constant 0 : i32
    return %arg0, %c0_i32 : i32, i32
  }
  func.func @transform_1(%arg0: i32) -> (i32, i32, i32, i32, i32) {
    %jit3A = arith.constant 2 : i32
    %div3A = arith.divsi %arg0, %jit3A : i32
    %sign3A = arith.constant 0 : i32
    %sign3A_0 = arith.cmpi sgt, %arg0, %sign3A : i32
    %sign3A_1 = arith.extui %sign3A_0 : i1 to i32
    %sign3A_2 = arith.constant 0 : i32
    %sign3A_3 = arith.cmpi slt, %arg0, %sign3A_2 : i32
    %sign3A_4 = arith.extui %sign3A_3 : i1 to i32
    %sign3A_5 = arith.subi %sign3A_1, %sign3A_4 : i32
    %sign3A_6 = arith.constant 0 : i32
    %sign3A_7 = arith.cmpi sgt, %jit3A, %sign3A_6 : i32
    %sign3A_8 = arith.extui %sign3A_7 : i1 to i32
    %sign3A_9 = arith.constant 0 : i32
    %sign3A_10 = arith.cmpi slt, %jit3A, %sign3A_9 : i32
    %sign3A_11 = arith.extui %sign3A_10 : i1 to i32
    %sign3A_12 = arith.subi %sign3A_8, %sign3A_11 : i32
    %ne3A = arith.cmpi ne, %sign3A_5, %sign3A_12 : i32
    %rem3A = arith.remsi %arg0, %jit3A : i32
    %ne3A_13 = arith.constant 0 : i32
    %ne3A_14 = arith.cmpi ne, %rem3A, %ne3A_13 : i32
    %and3A = arith.andi %ne3A, %ne3A_14 : i1
    %sub3A = arith.constant 1 : i32
    %sub3A_15 = arith.subi %div3A, %sub3A : i32
    %select_n3A = arith.select %and3A, %sub3A_15, %div3A : i32
    %jit3A_16 = arith.constant 2 : i32
    %eq3A = arith.constant 0 : i32
    %eq3A_17 = arith.cmpi eq, %jit3A_16, %eq3A : i32
    %jit3A_18 = arith.constant 1 : i32
    %select_n3A_19 = arith.select %eq3A_17, %jit3A_18, %jit3A_16 : i32
    %rem3A_20 = arith.remsi %arg0, %select_n3A_19 : i32
    %ne3A_21 = arith.constant 0 : i32
    %ne3A_22 = arith.cmpi ne, %rem3A_20, %ne3A_21 : i32
    %lt3A = arith.constant 0 : i32
    %lt3A_23 = arith.cmpi slt, %rem3A_20, %lt3A : i32
    %lt3A_24 = arith.constant 0 : i32
    %lt3A_25 = arith.cmpi slt, %select_n3A_19, %lt3A_24 : i32
    %ne3A_26 = arith.xori %lt3A_23, %lt3A_25 : i1
    %and3A_27 = arith.andi %ne3A_26, %ne3A_22 : i1
    %add3A = arith.addi %rem3A_20, %select_n3A_19 : i32
    %select_n3A_28 = arith.select %and3A_27, %add3A, %rem3A_20 : i32
    %c0_i32 = arith.constant 0 : i32
    %c0_i32_29 = arith.constant 0 : i32
    %c0_i32_30 = arith.constant 0 : i32
    %c0_i32_31 = arith.constant 0 : i32
    return %select_n3A, %c0_i32, %select_n3A_28, %c0_i32_29, %c0_i32_30 : i32, i32, i32, i32, i32
  }
}

module attributes {stable_mosaic.version = 14 : i64} {
  func.func @_encode_quantize_body(%arg0: i32, %arg1: memref<1x3x1x64x128xf32, #tpu.memory_space<vmem>>, %arg2: memref<256x48xf32, #tpu.memory_space<vmem>>, %arg3: memref<256x1xf32, #tpu.memory_space<vmem>>, %arg4: memref<8192x256xf32, #tpu.memory_space<vmem>>, %arg5: memref<256x128xf32, #tpu.memory_space<vmem>>, %arg6: memref<1x128xf32, #tpu.memory_space<vmem>>, %arg7: memref<1x1x512xi32, #tpu.memory_space<vmem>>, %arg8: memref<1x1xf32, #tpu.memory_space<smem>>, %arg9: memref<8192x128xf32, #tpu.memory_space<vmem>>, %arg10: memref<16x512x1xf32, #tpu.memory_space<vmem>>) attributes {dimension_semantics = [#tpu.dimension_semantics<arbitrary>], iteration_bounds = array<i64: 8>, scalar_prefetch = 0 : i64, scratch_operands = 1 : i64, tpu.core_type = #tpu.core_type<tc>, window_params = [{transform_indices = @transform_0, window_bounds = array<i64: 1, 3, 1, 64, 128>}, {pipeline_mode = #tpu.pipeline_mode<synchronous>, transform_indices = @transform_1, window_bounds = array<i64: 256, 48>}, {pipeline_mode = #tpu.pipeline_mode<synchronous>, transform_indices = @transform_2, window_bounds = array<i64: 256, 1>}, {pipeline_mode = #tpu.pipeline_mode<synchronous>, transform_indices = @transform_3, window_bounds = array<i64: 8192, 256>}, {pipeline_mode = #tpu.pipeline_mode<synchronous>, transform_indices = @transform_4, window_bounds = array<i64: 256, 128>}, {pipeline_mode = #tpu.pipeline_mode<synchronous>, transform_indices = @transform_5, window_bounds = array<i64: 1, 128>}, {transform_indices = @transform_6, window_bounds = array<i64: 1, 1, 512>}, {transform_indices = @transform_7, window_bounds = array<i64: 1, 1>}, {pipeline_mode = #tpu.pipeline_mode<synchronous>, transform_indices = @transform_8, window_bounds = array<i64: 8192, 128>}]} {
    %eq3A = arith.constant 0 : i32
    %eq3A_0 = arith.cmpi eq, %arg0, %eq3A : i32
    %convert_element_type3A = arith.extui %eq3A_0 : i1 to i32
    %cond3A = arith.constant 0 : i32
    %cond3A_1 = arith.cmpi ne, %convert_element_type3A, %cond3A : i32
    scf.if %cond3A_1 {
      %get3A_561 = arith.constant 0 : index
      %get3A_562 = arith.constant 0 : index
      %get3A_563 = vector.load %arg4[%get3A_561, %get3A_562] : memref<8192x256xf32, #tpu.memory_space<vmem>>, vector<512x256xf32>
      %mul3A_564 = arith.mulf %get3A_563, %get3A_563 : vector<512x256xf32>
      %reduce_sum3A_565 = arith.constant dense<0.000000e+00> : vector<512xf32>
      %reduce_sum3A_566 = vector.multi_reduction <add>, %mul3A_564, %reduce_sum3A_565 [1] : vector<512x256xf32> to vector<512xf32>
      %broadcast_in_dim3A_567 = vector.shape_cast %reduce_sum3A_566 : vector<512xf32> to vector<512x1xf32>
      %mul3A_568 = arith.constant 5.000000e-01 : f32
      %mul3A_569 = vector.broadcast %mul3A_568 : f32 to vector<512x1xf32>
      %mul3A_570 = arith.mulf %mul3A_569, %broadcast_in_dim3A_567 : vector<512x1xf32>
      %swap3A_571 = arith.constant 0 : index
      %swap3A_572 = arith.constant 0 : index
      %swap3A_573 = arith.constant 0 : index
      %swap3A_574 = vector.load %arg10[%swap3A_571, %swap3A_572, %swap3A_573] : memref<16x512x1xf32, #tpu.memory_space<vmem>>, vector<1x512x1xf32>
      %swap3A_575 = vector.shape_cast %swap3A_574 : vector<1x512x1xf32> to vector<512x1xf32>
      %swap3A_576 = vector.shape_cast %mul3A_570 : vector<512x1xf32> to vector<1x512x1xf32>
      tpu.vector_store %arg10[%swap3A_571, %swap3A_572, %swap3A_573], %swap3A_576 {strides = array<i32>} : memref<16x512x1xf32, #tpu.memory_space<vmem>>, vector<1x512x1xf32>,
      %get3A_577 = arith.constant 512 : index
      %get3A_578 = arith.constant 0 : index
      %get3A_579 = vector.load %arg4[%get3A_577, %get3A_578] : memref<8192x256xf32, #tpu.memory_space<vmem>>, vector<512x256xf32>
      %mul3A_580 = arith.mulf %get3A_579, %get3A_579 : vector<512x256xf32>
      %reduce_sum3A_581 = arith.constant dense<0.000000e+00> : vector<512xf32>
      %reduce_sum3A_582 = vector.multi_reduction <add>, %mul3A_580, %reduce_sum3A_581 [1] : vector<512x256xf32> to vector<512xf32>
      %broadcast_in_dim3A_583 = vector.shape_cast %reduce_sum3A_582 : vector<512xf32> to vector<512x1xf32>
      %mul3A_584 = arith.constant 5.000000e-01 : f32
      %mul3A_585 = vector.broadcast %mul3A_584 : f32 to vector<512x1xf32>
      %mul3A_586 = arith.mulf %mul3A_585, %broadcast_in_dim3A_583 : vector<512x1xf32>
      %swap3A_587 = arith.constant 1 : index
      %swap3A_588 = arith.constant 0 : index
      %swap3A_589 = arith.constant 0 : index
      %swap3A_590 = vector.load %arg10[%swap3A_587, %swap3A_588, %swap3A_589] : memref<16x512x1xf32, #tpu.memory_space<vmem>>, vector<1x512x1xf32>
      %swap3A_591 = vector.shape_cast %swap3A_590 : vector<1x512x1xf32> to vector<512x1xf32>
      %swap3A_592 = vector.shape_cast %mul3A_586 : vector<512x1xf32> to vector<1x512x1xf32>
      tpu.vector_store %arg10[%swap3A_587, %swap3A_588, %swap3A_589], %swap3A_592 {strides = array<i32>} : memref<16x512x1xf32, #tpu.memory_space<vmem>>, vector<1x512x1xf32>,
      %get3A_593 = arith.constant 1024 : index
      %get3A_594 = arith.constant 0 : index
      %get3A_595 = vector.load %arg4[%get3A_593, %get3A_594] : memref<8192x256xf32, #tpu.memory_space<vmem>>, vector<512x256xf32>
      %mul3A_596 = arith.mulf %get3A_595, %get3A_595 : vector<512x256xf32>
      %reduce_sum3A_597 = arith.constant dense<0.000000e+00> : vector<512xf32>
      %reduce_sum3A_598 = vector.multi_reduction <add>, %mul3A_596, %reduce_sum3A_597 [1] : vector<512x256xf32> to vector<512xf32>
      %broadcast_in_dim3A_599 = vector.shape_cast %reduce_sum3A_598 : vector<512xf32> to vector<512x1xf32>
      %mul3A_600 = arith.constant 5.000000e-01 : f32
      %mul3A_601 = vector.broadcast %mul3A_600 : f32 to vector<512x1xf32>
      %mul3A_602 = arith.mulf %mul3A_601, %broadcast_in_dim3A_599 : vector<512x1xf32>
      %swap3A_603 = arith.constant 2 : index
      %swap3A_604 = arith.constant 0 : index
      %swap3A_605 = arith.constant 0 : index
      %swap3A_606 = vector.load %arg10[%swap3A_603, %swap3A_604, %swap3A_605] : memref<16x512x1xf32, #tpu.memory_space<vmem>>, vector<1x512x1xf32>
      %swap3A_607 = vector.shape_cast %swap3A_606 : vector<1x512x1xf32> to vector<512x1xf32>
      %swap3A_608 = vector.shape_cast %mul3A_602 : vector<512x1xf32> to vector<1x512x1xf32>
      tpu.vector_store %arg10[%swap3A_603, %swap3A_604, %swap3A_605], %swap3A_608 {strides = array<i32>} : memref<16x512x1xf32, #tpu.memory_space<vmem>>, vector<1x512x1xf32>,
      %get3A_609 = arith.constant 1536 : index
      %get3A_610 = arith.constant 0 : index
      %get3A_611 = vector.load %arg4[%get3A_609, %get3A_610] : memref<8192x256xf32, #tpu.memory_space<vmem>>, vector<512x256xf32>
      %mul3A_612 = arith.mulf %get3A_611, %get3A_611 : vector<512x256xf32>
      %reduce_sum3A_613 = arith.constant dense<0.000000e+00> : vector<512xf32>
      %reduce_sum3A_614 = vector.multi_reduction <add>, %mul3A_612, %reduce_sum3A_613 [1] : vector<512x256xf32> to vector<512xf32>
      %broadcast_in_dim3A_615 = vector.shape_cast %reduce_sum3A_614 : vector<512xf32> to vector<512x1xf32>
      %mul3A_616 = arith.constant 5.000000e-01 : f32
      %mul3A_617 = vector.broadcast %mul3A_616 : f32 to vector<512x1xf32>
      %mul3A_618 = arith.mulf %mul3A_617, %broadcast_in_dim3A_615 : vector<512x1xf32>
      %swap3A_619 = arith.constant 3 : index
      %swap3A_620 = arith.constant 0 : index
      %swap3A_621 = arith.constant 0 : index
      %swap3A_622 = vector.load %arg10[%swap3A_619, %swap3A_620, %swap3A_621] : memref<16x512x1xf32, #tpu.memory_space<vmem>>, vector<1x512x1xf32>
      %swap3A_623 = vector.shape_cast %swap3A_622 : vector<1x512x1xf32> to vector<512x1xf32>
      %swap3A_624 = vector.shape_cast %mul3A_618 : vector<512x1xf32> to vector<1x512x1xf32>
      tpu.vector_store %arg10[%swap3A_619, %swap3A_620, %swap3A_621], %swap3A_624 {strides = array<i32>} : memref<16x512x1xf32, #tpu.memory_space<vmem>>, vector<1x512x1xf32>,
      %get3A_625 = arith.constant 2048 : index
      %get3A_626 = arith.constant 0 : index
      %get3A_627 = vector.load %arg4[%get3A_625, %get3A_626] : memref<8192x256xf32, #tpu.memory_space<vmem>>, vector<512x256xf32>
      %mul3A_628 = arith.mulf %get3A_627, %get3A_627 : vector<512x256xf32>
      %reduce_sum3A_629 = arith.constant dense<0.000000e+00> : vector<512xf32>
      %reduce_sum3A_630 = vector.multi_reduction <add>, %mul3A_628, %reduce_sum3A_629 [1] : vector<512x256xf32> to vector<512xf32>
      %broadcast_in_dim3A_631 = vector.shape_cast %reduce_sum3A_630 : vector<512xf32> to vector<512x1xf32>
      %mul3A_632 = arith.constant 5.000000e-01 : f32
      %mul3A_633 = vector.broadcast %mul3A_632 : f32 to vector<512x1xf32>
      %mul3A_634 = arith.mulf %mul3A_633, %broadcast_in_dim3A_631 : vector<512x1xf32>
      %swap3A_635 = arith.constant 4 : index
      %swap3A_636 = arith.constant 0 : index
      %swap3A_637 = arith.constant 0 : index
      %swap3A_638 = vector.load %arg10[%swap3A_635, %swap3A_636, %swap3A_637] : memref<16x512x1xf32, #tpu.memory_space<vmem>>, vector<1x512x1xf32>
      %swap3A_639 = vector.shape_cast %swap3A_638 : vector<1x512x1xf32> to vector<512x1xf32>
      %swap3A_640 = vector.shape_cast %mul3A_634 : vector<512x1xf32> to vector<1x512x1xf32>
      tpu.vector_store %arg10[%swap3A_635, %swap3A_636, %swap3A_637], %swap3A_640 {strides = array<i32>} : memref<16x512x1xf32, #tpu.memory_space<vmem>>, vector<1x512x1xf32>,
      %get3A_641 = arith.constant 2560 : index
      %get3A_642 = arith.constant 0 : index
      %get3A_643 = vector.load %arg4[%get3A_641, %get3A_642] : memref<8192x256xf32, #tpu.memory_space<vmem>>, vector<512x256xf32>
      %mul3A_644 = arith.mulf %get3A_643, %get3A_643 : vector<512x256xf32>
      %reduce_sum3A_645 = arith.constant dense<0.000000e+00> : vector<512xf32>
      %reduce_sum3A_646 = vector.multi_reduction <add>, %mul3A_644, %reduce_sum3A_645 [1] : vector<512x256xf32> to vector<512xf32>
      %broadcast_in_dim3A_647 = vector.shape_cast %reduce_sum3A_646 : vector<512xf32> to vector<512x1xf32>
      %mul3A_648 = arith.constant 5.000000e-01 : f32
      %mul3A_649 = vector.broadcast %mul3A_648 : f32 to vector<512x1xf32>
      %mul3A_650 = arith.mulf %mul3A_649, %broadcast_in_dim3A_647 : vector<512x1xf32>
      %swap3A_651 = arith.constant 5 : index
      %swap3A_652 = arith.constant 0 : index
      %swap3A_653 = arith.constant 0 : index
      %swap3A_654 = vector.load %arg10[%swap3A_651, %swap3A_652, %swap3A_653] : memref<16x512x1xf32, #tpu.memory_space<vmem>>, vector<1x512x1xf32>
      %swap3A_655 = vector.shape_cast %swap3A_654 : vector<1x512x1xf32> to vector<512x1xf32>
      %swap3A_656 = vector.shape_cast %mul3A_650 : vector<512x1xf32> to vector<1x512x1xf32>
      tpu.vector_store %arg10[%swap3A_651, %swap3A_652, %swap3A_653], %swap3A_656 {strides = array<i32>} : memref<16x512x1xf32, #tpu.memory_space<vmem>>, vector<1x512x1xf32>,
      %get3A_657 = arith.constant 3072 : index
      %get3A_658 = arith.constant 0 : index
      %get3A_659 = vector.load %arg4[%get3A_657, %get3A_658] : memref<8192x256xf32, #tpu.memory_space<vmem>>, vector<512x256xf32>
      %mul3A_660 = arith.mulf %get3A_659, %get3A_659 : vector<512x256xf32>
      %reduce_sum3A_661 = arith.constant dense<0.000000e+00> : vector<512xf32>
      %reduce_sum3A_662 = vector.multi_reduction <add>, %mul3A_660, %reduce_sum3A_661 [1] : vector<512x256xf32> to vector<512xf32>
      %broadcast_in_dim3A_663 = vector.shape_cast %reduce_sum3A_662 : vector<512xf32> to vector<512x1xf32>
      %mul3A_664 = arith.constant 5.000000e-01 : f32
      %mul3A_665 = vector.broadcast %mul3A_664 : f32 to vector<512x1xf32>
      %mul3A_666 = arith.mulf %mul3A_665, %broadcast_in_dim3A_663 : vector<512x1xf32>
      %swap3A_667 = arith.constant 6 : index
      %swap3A_668 = arith.constant 0 : index
      %swap3A_669 = arith.constant 0 : index
      %swap3A_670 = vector.load %arg10[%swap3A_667, %swap3A_668, %swap3A_669] : memref<16x512x1xf32, #tpu.memory_space<vmem>>, vector<1x512x1xf32>
      %swap3A_671 = vector.shape_cast %swap3A_670 : vector<1x512x1xf32> to vector<512x1xf32>
      %swap3A_672 = vector.shape_cast %mul3A_666 : vector<512x1xf32> to vector<1x512x1xf32>
      tpu.vector_store %arg10[%swap3A_667, %swap3A_668, %swap3A_669], %swap3A_672 {strides = array<i32>} : memref<16x512x1xf32, #tpu.memory_space<vmem>>, vector<1x512x1xf32>,
      %get3A_673 = arith.constant 3584 : index
      %get3A_674 = arith.constant 0 : index
      %get3A_675 = vector.load %arg4[%get3A_673, %get3A_674] : memref<8192x256xf32, #tpu.memory_space<vmem>>, vector<512x256xf32>
      %mul3A_676 = arith.mulf %get3A_675, %get3A_675 : vector<512x256xf32>
      %reduce_sum3A_677 = arith.constant dense<0.000000e+00> : vector<512xf32>
      %reduce_sum3A_678 = vector.multi_reduction <add>, %mul3A_676, %reduce_sum3A_677 [1] : vector<512x256xf32> to vector<512xf32>
      %broadcast_in_dim3A_679 = vector.shape_cast %reduce_sum3A_678 : vector<512xf32> to vector<512x1xf32>
      %mul3A_680 = arith.constant 5.000000e-01 : f32
      %mul3A_681 = vector.broadcast %mul3A_680 : f32 to vector<512x1xf32>
      %mul3A_682 = arith.mulf %mul3A_681, %broadcast_in_dim3A_679 : vector<512x1xf32>
      %swap3A_683 = arith.constant 7 : index
      %swap3A_684 = arith.constant 0 : index
      %swap3A_685 = arith.constant 0 : index
      %swap3A_686 = vector.load %arg10[%swap3A_683, %swap3A_684, %swap3A_685] : memref<16x512x1xf32, #tpu.memory_space<vmem>>, vector<1x512x1xf32>
      %swap3A_687 = vector.shape_cast %swap3A_686 : vector<1x512x1xf32> to vector<512x1xf32>
      %swap3A_688 = vector.shape_cast %mul3A_682 : vector<512x1xf32> to vector<1x512x1xf32>
      tpu.vector_store %arg10[%swap3A_683, %swap3A_684, %swap3A_685], %swap3A_688 {strides = array<i32>} : memref<16x512x1xf32, #tpu.memory_space<vmem>>, vector<1x512x1xf32>,
      %get3A_689 = arith.constant 4096 : index
      %get3A_690 = arith.constant 0 : index
      %get3A_691 = vector.load %arg4[%get3A_689, %get3A_690] : memref<8192x256xf32, #tpu.memory_space<vmem>>, vector<512x256xf32>
      %mul3A_692 = arith.mulf %get3A_691, %get3A_691 : vector<512x256xf32>
      %reduce_sum3A_693 = arith.constant dense<0.000000e+00> : vector<512xf32>
      %reduce_sum3A_694 = vector.multi_reduction <add>, %mul3A_692, %reduce_sum3A_693 [1] : vector<512x256xf32> to vector<512xf32>
      %broadcast_in_dim3A_695 = vector.shape_cast %reduce_sum3A_694 : vector<512xf32> to vector<512x1xf32>
      %mul3A_696 = arith.constant 5.000000e-01 : f32
      %mul3A_697 = vector.broadcast %mul3A_696 : f32 to vector<512x1xf32>
      %mul3A_698 = arith.mulf %mul3A_697, %broadcast_in_dim3A_695 : vector<512x1xf32>
      %swap3A_699 = arith.constant 8 : index
      %swap3A_700 = arith.constant 0 : index
      %swap3A_701 = arith.constant 0 : index
      %swap3A_702 = vector.load %arg10[%swap3A_699, %swap3A_700, %swap3A_701] : memref<16x512x1xf32, #tpu.memory_space<vmem>>, vector<1x512x1xf32>
      %swap3A_703 = vector.shape_cast %swap3A_702 : vector<1x512x1xf32> to vector<512x1xf32>
      %swap3A_704 = vector.shape_cast %mul3A_698 : vector<512x1xf32> to vector<1x512x1xf32>
      tpu.vector_store %arg10[%swap3A_699, %swap3A_700, %swap3A_701], %swap3A_704 {strides = array<i32>} : memref<16x512x1xf32, #tpu.memory_space<vmem>>, vector<1x512x1xf32>,
      %get3A_705 = arith.constant 4608 : index
      %get3A_706 = arith.constant 0 : index
      %get3A_707 = vector.load %arg4[%get3A_705, %get3A_706] : memref<8192x256xf32, #tpu.memory_space<vmem>>, vector<512x256xf32>
      %mul3A_708 = arith.mulf %get3A_707, %get3A_707 : vector<512x256xf32>
      %reduce_sum3A_709 = arith.constant dense<0.000000e+00> : vector<512xf32>
      %reduce_sum3A_710 = vector.multi_reduction <add>, %mul3A_708, %reduce_sum3A_709 [1] : vector<512x256xf32> to vector<512xf32>
      %broadcast_in_dim3A_711 = vector.shape_cast %reduce_sum3A_710 : vector<512xf32> to vector<512x1xf32>
      %mul3A_712 = arith.constant 5.000000e-01 : f32
      %mul3A_713 = vector.broadcast %mul3A_712 : f32 to vector<512x1xf32>
      %mul3A_714 = arith.mulf %mul3A_713, %broadcast_in_dim3A_711 : vector<512x1xf32>
      %swap3A_715 = arith.constant 9 : index
      %swap3A_716 = arith.constant 0 : index
      %swap3A_717 = arith.constant 0 : index
      %swap3A_718 = vector.load %arg10[%swap3A_715, %swap3A_716, %swap3A_717] : memref<16x512x1xf32, #tpu.memory_space<vmem>>, vector<1x512x1xf32>
      %swap3A_719 = vector.shape_cast %swap3A_718 : vector<1x512x1xf32> to vector<512x1xf32>
      %swap3A_720 = vector.shape_cast %mul3A_714 : vector<512x1xf32> to vector<1x512x1xf32>
      tpu.vector_store %arg10[%swap3A_715, %swap3A_716, %swap3A_717], %swap3A_720 {strides = array<i32>} : memref<16x512x1xf32, #tpu.memory_space<vmem>>, vector<1x512x1xf32>,
      %get3A_721 = arith.constant 5120 : index
      %get3A_722 = arith.constant 0 : index
      %get3A_723 = vector.load %arg4[%get3A_721, %get3A_722] : memref<8192x256xf32, #tpu.memory_space<vmem>>, vector<512x256xf32>
      %mul3A_724 = arith.mulf %get3A_723, %get3A_723 : vector<512x256xf32>
      %reduce_sum3A_725 = arith.constant dense<0.000000e+00> : vector<512xf32>
      %reduce_sum3A_726 = vector.multi_reduction <add>, %mul3A_724, %reduce_sum3A_725 [1] : vector<512x256xf32> to vector<512xf32>
      %broadcast_in_dim3A_727 = vector.shape_cast %reduce_sum3A_726 : vector<512xf32> to vector<512x1xf32>
      %mul3A_728 = arith.constant 5.000000e-01 : f32
      %mul3A_729 = vector.broadcast %mul3A_728 : f32 to vector<512x1xf32>
      %mul3A_730 = arith.mulf %mul3A_729, %broadcast_in_dim3A_727 : vector<512x1xf32>
      %swap3A_731 = arith.constant 10 : index
      %swap3A_732 = arith.constant 0 : index
      %swap3A_733 = arith.constant 0 : index
      %swap3A_734 = vector.load %arg10[%swap3A_731, %swap3A_732, %swap3A_733] : memref<16x512x1xf32, #tpu.memory_space<vmem>>, vector<1x512x1xf32>
      %swap3A_735 = vector.shape_cast %swap3A_734 : vector<1x512x1xf32> to vector<512x1xf32>
      %swap3A_736 = vector.shape_cast %mul3A_730 : vector<512x1xf32> to vector<1x512x1xf32>
      tpu.vector_store %arg10[%swap3A_731, %swap3A_732, %swap3A_733], %swap3A_736 {strides = array<i32>} : memref<16x512x1xf32, #tpu.memory_space<vmem>>, vector<1x512x1xf32>,
      %get3A_737 = arith.constant 5632 : index
      %get3A_738 = arith.constant 0 : index
      %get3A_739 = vector.load %arg4[%get3A_737, %get3A_738] : memref<8192x256xf32, #tpu.memory_space<vmem>>, vector<512x256xf32>
      %mul3A_740 = arith.mulf %get3A_739, %get3A_739 : vector<512x256xf32>
      %reduce_sum3A_741 = arith.constant dense<0.000000e+00> : vector<512xf32>
      %reduce_sum3A_742 = vector.multi_reduction <add>, %mul3A_740, %reduce_sum3A_741 [1] : vector<512x256xf32> to vector<512xf32>
      %broadcast_in_dim3A_743 = vector.shape_cast %reduce_sum3A_742 : vector<512xf32> to vector<512x1xf32>
      %mul3A_744 = arith.constant 5.000000e-01 : f32
      %mul3A_745 = vector.broadcast %mul3A_744 : f32 to vector<512x1xf32>
      %mul3A_746 = arith.mulf %mul3A_745, %broadcast_in_dim3A_743 : vector<512x1xf32>
      %swap3A_747 = arith.constant 11 : index
      %swap3A_748 = arith.constant 0 : index
      %swap3A_749 = arith.constant 0 : index
      %swap3A_750 = vector.load %arg10[%swap3A_747, %swap3A_748, %swap3A_749] : memref<16x512x1xf32, #tpu.memory_space<vmem>>, vector<1x512x1xf32>
      %swap3A_751 = vector.shape_cast %swap3A_750 : vector<1x512x1xf32> to vector<512x1xf32>
      %swap3A_752 = vector.shape_cast %mul3A_746 : vector<512x1xf32> to vector<1x512x1xf32>
      tpu.vector_store %arg10[%swap3A_747, %swap3A_748, %swap3A_749], %swap3A_752 {strides = array<i32>} : memref<16x512x1xf32, #tpu.memory_space<vmem>>, vector<1x512x1xf32>,
      %get3A_753 = arith.constant 6144 : index
      %get3A_754 = arith.constant 0 : index
      %get3A_755 = vector.load %arg4[%get3A_753, %get3A_754] : memref<8192x256xf32, #tpu.memory_space<vmem>>, vector<512x256xf32>
      %mul3A_756 = arith.mulf %get3A_755, %get3A_755 : vector<512x256xf32>
      %reduce_sum3A_757 = arith.constant dense<0.000000e+00> : vector<512xf32>
      %reduce_sum3A_758 = vector.multi_reduction <add>, %mul3A_756, %reduce_sum3A_757 [1] : vector<512x256xf32> to vector<512xf32>
      %broadcast_in_dim3A_759 = vector.shape_cast %reduce_sum3A_758 : vector<512xf32> to vector<512x1xf32>
      %mul3A_760 = arith.constant 5.000000e-01 : f32
      %mul3A_761 = vector.broadcast %mul3A_760 : f32 to vector<512x1xf32>
      %mul3A_762 = arith.mulf %mul3A_761, %broadcast_in_dim3A_759 : vector<512x1xf32>
      %swap3A_763 = arith.constant 12 : index
      %swap3A_764 = arith.constant 0 : index
      %swap3A_765 = arith.constant 0 : index
      %swap3A_766 = vector.load %arg10[%swap3A_763, %swap3A_764, %swap3A_765] : memref<16x512x1xf32, #tpu.memory_space<vmem>>, vector<1x512x1xf32>
      %swap3A_767 = vector.shape_cast %swap3A_766 : vector<1x512x1xf32> to vector<512x1xf32>
      %swap3A_768 = vector.shape_cast %mul3A_762 : vector<512x1xf32> to vector<1x512x1xf32>
      tpu.vector_store %arg10[%swap3A_763, %swap3A_764, %swap3A_765], %swap3A_768 {strides = array<i32>} : memref<16x512x1xf32, #tpu.memory_space<vmem>>, vector<1x512x1xf32>,
      %get3A_769 = arith.constant 6656 : index
      %get3A_770 = arith.constant 0 : index
      %get3A_771 = vector.load %arg4[%get3A_769, %get3A_770] : memref<8192x256xf32, #tpu.memory_space<vmem>>, vector<512x256xf32>
      %mul3A_772 = arith.mulf %get3A_771, %get3A_771 : vector<512x256xf32>
      %reduce_sum3A_773 = arith.constant dense<0.000000e+00> : vector<512xf32>
      %reduce_sum3A_774 = vector.multi_reduction <add>, %mul3A_772, %reduce_sum3A_773 [1] : vector<512x256xf32> to vector<512xf32>
      %broadcast_in_dim3A_775 = vector.shape_cast %reduce_sum3A_774 : vector<512xf32> to vector<512x1xf32>
      %mul3A_776 = arith.constant 5.000000e-01 : f32
      %mul3A_777 = vector.broadcast %mul3A_776 : f32 to vector<512x1xf32>
      %mul3A_778 = arith.mulf %mul3A_777, %broadcast_in_dim3A_775 : vector<512x1xf32>
      %swap3A_779 = arith.constant 13 : index
      %swap3A_780 = arith.constant 0 : index
      %swap3A_781 = arith.constant 0 : index
      %swap3A_782 = vector.load %arg10[%swap3A_779, %swap3A_780, %swap3A_781] : memref<16x512x1xf32, #tpu.memory_space<vmem>>, vector<1x512x1xf32>
      %swap3A_783 = vector.shape_cast %swap3A_782 : vector<1x512x1xf32> to vector<512x1xf32>
      %swap3A_784 = vector.shape_cast %mul3A_778 : vector<512x1xf32> to vector<1x512x1xf32>
      tpu.vector_store %arg10[%swap3A_779, %swap3A_780, %swap3A_781], %swap3A_784 {strides = array<i32>} : memref<16x512x1xf32, #tpu.memory_space<vmem>>, vector<1x512x1xf32>,
      %get3A_785 = arith.constant 7168 : index
      %get3A_786 = arith.constant 0 : index
      %get3A_787 = vector.load %arg4[%get3A_785, %get3A_786] : memref<8192x256xf32, #tpu.memory_space<vmem>>, vector<512x256xf32>
      %mul3A_788 = arith.mulf %get3A_787, %get3A_787 : vector<512x256xf32>
      %reduce_sum3A_789 = arith.constant dense<0.000000e+00> : vector<512xf32>
      %reduce_sum3A_790 = vector.multi_reduction <add>, %mul3A_788, %reduce_sum3A_789 [1] : vector<512x256xf32> to vector<512xf32>
      %broadcast_in_dim3A_791 = vector.shape_cast %reduce_sum3A_790 : vector<512xf32> to vector<512x1xf32>
      %mul3A_792 = arith.constant 5.000000e-01 : f32
      %mul3A_793 = vector.broadcast %mul3A_792 : f32 to vector<512x1xf32>
      %mul3A_794 = arith.mulf %mul3A_793, %broadcast_in_dim3A_791 : vector<512x1xf32>
      %swap3A_795 = arith.constant 14 : index
      %swap3A_796 = arith.constant 0 : index
      %swap3A_797 = arith.constant 0 : index
      %swap3A_798 = vector.load %arg10[%swap3A_795, %swap3A_796, %swap3A_797] : memref<16x512x1xf32, #tpu.memory_space<vmem>>, vector<1x512x1xf32>
      %swap3A_799 = vector.shape_cast %swap3A_798 : vector<1x512x1xf32> to vector<512x1xf32>
      %swap3A_800 = vector.shape_cast %mul3A_794 : vector<512x1xf32> to vector<1x512x1xf32>
      tpu.vector_store %arg10[%swap3A_795, %swap3A_796, %swap3A_797], %swap3A_800 {strides = array<i32>} : memref<16x512x1xf32, #tpu.memory_space<vmem>>, vector<1x512x1xf32>,
      %get3A_801 = arith.constant 7680 : index
      %get3A_802 = arith.constant 0 : index
      %get3A_803 = vector.load %arg4[%get3A_801, %get3A_802] : memref<8192x256xf32, #tpu.memory_space<vmem>>, vector<512x256xf32>
      %mul3A_804 = arith.mulf %get3A_803, %get3A_803 : vector<512x256xf32>
      %reduce_sum3A_805 = arith.constant dense<0.000000e+00> : vector<512xf32>
      %reduce_sum3A_806 = vector.multi_reduction <add>, %mul3A_804, %reduce_sum3A_805 [1] : vector<512x256xf32> to vector<512xf32>
      %broadcast_in_dim3A_807 = vector.shape_cast %reduce_sum3A_806 : vector<512xf32> to vector<512x1xf32>
      %mul3A_808 = arith.constant 5.000000e-01 : f32
      %mul3A_809 = vector.broadcast %mul3A_808 : f32 to vector<512x1xf32>
      %mul3A_810 = arith.mulf %mul3A_809, %broadcast_in_dim3A_807 : vector<512x1xf32>
      %swap3A_811 = arith.constant 15 : index
      %swap3A_812 = arith.constant 0 : index
      %swap3A_813 = arith.constant 0 : index
      %swap3A_814 = vector.load %arg10[%swap3A_811, %swap3A_812, %swap3A_813] : memref<16x512x1xf32, #tpu.memory_space<vmem>>, vector<1x512x1xf32>
      %swap3A_815 = vector.shape_cast %swap3A_814 : vector<1x512x1xf32> to vector<512x1xf32>
      %swap3A_816 = vector.shape_cast %mul3A_810 : vector<512x1xf32> to vector<1x512x1xf32>
      tpu.vector_store %arg10[%swap3A_811, %swap3A_812, %swap3A_813], %swap3A_816 {strides = array<i32>} : memref<16x512x1xf32, #tpu.memory_space<vmem>>, vector<1x512x1xf32>,
      %get3A_817 = arith.constant 0 : index
      %get3A_818 = arith.constant 0 : index
      %get3A_819 = vector.load %arg4[%get3A_817, %get3A_818] : memref<8192x256xf32, #tpu.memory_space<vmem>>, vector<8192x256xf32>
      %get3A_820 = arith.constant 0 : index
      %get3A_821 = arith.constant 0 : index
      %get3A_822 = vector.load %arg5[%get3A_820, %get3A_821] : memref<256x128xf32, #tpu.memory_space<vmem>>, vector<256x128xf32>
      %dot_general3A_823 = arith.constant dense<0.000000e+00> : vector<8192x128xf32>
      %dot_general3A_824 = tpu.matmul %get3A_819, %get3A_822, %dot_general3A_823 {dimension_numbers = #tpu.dot_dimension_numbers<[1], [0], [0], [1], [0, 0, 1, 1], [], []>, transpose_lhs_hint = false} : vector<8192x256xf32>, vector<256x128xf32>, vector<8192x128xf32> -> vector<8192x128xf32>
      %get3A_825 = arith.constant 0 : index
      %get3A_826 = arith.constant 0 : index
      %get3A_827 = vector.load %arg6[%get3A_825, %get3A_826] : memref<1x128xf32, #tpu.memory_space<vmem>>, vector<1x128xf32>
      %add3A_828 = vector.broadcast %get3A_827 : vector<1x128xf32> to vector<8192x128xf32>
      %add3A_829 = arith.addf %dot_general3A_824, %add3A_828 : vector<8192x128xf32>
      %swap3A_830 = arith.constant 0 : index
      %swap3A_831 = arith.constant 0 : index
      %swap3A_832 = vector.load %arg9[%swap3A_830, %swap3A_831] : memref<8192x128xf32, #tpu.memory_space<vmem>>, vector<8192x128xf32>
      tpu.vector_store %arg9[%swap3A_830, %swap3A_831], %add3A_829 {strides = array<i32>} : memref<8192x128xf32, #tpu.memory_space<vmem>>, vector<8192x128xf32>,
    } else {
    }
    %get3A = arith.constant 0 : index
    %get3A_2 = arith.constant 0 : index
    %get3A_3 = arith.constant 0 : index
    %get3A_4 = arith.constant 0 : index
    %get3A_5 = arith.constant 0 : index
    %get3A_6 = vector.load %arg1[%get3A, %get3A_2, %get3A_3, %get3A_4, %get3A_5] : memref<1x3x1x64x128xf32, #tpu.memory_space<vmem>>, vector<1x3x1x64x128xf32>
    %get3A_7 = vector.shape_cast %get3A_6 : vector<1x3x1x64x128xf32> to vector<3x64x128xf32>
    %reshape3A = vector.shape_cast %get3A_7 : vector<3x64x128xf32> to vector<3x16x4x32x4xf32>
    %transpose3A = tpu.transpose %reshape3A, [0, 2, 4, 1, 3] : vector<3x16x4x32x4xf32> -> vector<3x4x4x16x32xf32>
    %reshape3A_8 = vector.shape_cast %transpose3A : vector<3x4x4x16x32xf32> to vector<48x512xf32>
    %get3A_9 = arith.constant 0 : index
    %get3A_10 = arith.constant 0 : index
    %get3A_11 = vector.load %arg2[%get3A_9, %get3A_10] : memref<256x48xf32, #tpu.memory_space<vmem>>, vector<256x48xf32>
    %dot_general3A = arith.constant dense<0.000000e+00> : vector<256x512xf32>
    %dot_general3A_12 = tpu.matmul %get3A_11, %reshape3A_8, %dot_general3A {dimension_numbers = #tpu.dot_dimension_numbers<[1], [0], [0], [1], [0, 0, 1, 1], [], []>, transpose_lhs_hint = false} : vector<256x48xf32>, vector<48x512xf32>, vector<256x512xf32> -> vector<256x512xf32>
    %get3A_13 = arith.constant 0 : index
    %get3A_14 = arith.constant 0 : index
    %get3A_15 = vector.load %arg3[%get3A_13, %get3A_14] : memref<256x1xf32, #tpu.memory_space<vmem>>, vector<256x1xf32>
    %add3A = vector.broadcast %get3A_15 : vector<256x1xf32> to vector<256x512xf32>
    %add3A_16 = arith.addf %dot_general3A_12, %add3A : vector<256x512xf32>
    %max3A = arith.constant 0.000000e+00 : f32
    %max3A_17 = vector.broadcast %max3A : f32 to vector<256x512xf32>
    %max3A_18 = arith.maximumf %add3A_16, %max3A_17 : vector<256x512xf32>
    %broadcast_in_dim3A = arith.constant 0xFF800000 : f32
    %broadcast_in_dim3A_19 = vector.broadcast %broadcast_in_dim3A : f32 to vector<1x512xf32>
    %broadcast_in_dim3A_20 = arith.constant 0 : i32
    %broadcast_in_dim3A_21 = vector.broadcast %broadcast_in_dim3A_20 : i32 to vector<1x512xi32>
    %scan3A = arith.constant 0 : i32
    %mul3A = arith.constant 512 : i32
    %mul3A_22 = arith.muli %scan3A, %mul3A : i32
    %get3A_23 = arith.index_cast %mul3A_22 : i32 to index
    %get3A_24 = arith.constant 0 : index
    %get3A_25 = vector.load %arg4[%get3A_23, %get3A_24] : memref<8192x256xf32, #tpu.memory_space<vmem>>, vector<512x256xf32>
    %dot_general3A_26 = arith.constant dense<0.000000e+00> : vector<512x512xf32>
    %dot_general3A_27 = tpu.matmul %get3A_25, %max3A_18, %dot_general3A_26 {dimension_numbers = #tpu.dot_dimension_numbers<[1], [0], [0], [1], [0, 0, 1, 1], [], []>, transpose_lhs_hint = false} : vector<512x256xf32>, vector<256x512xf32>, vector<512x512xf32> -> vector<512x512xf32>
    %get3A_28 = arith.index_cast %scan3A : i32 to index
    %get3A_29 = arith.constant 0 : index
    %get3A_30 = arith.constant 0 : index
    %get3A_31 = vector.load %arg10[%get3A_28, %get3A_29, %get3A_30] : memref<16x512x1xf32, #tpu.memory_space<vmem>>, vector<1x512x1xf32>
    %get3A_32 = vector.shape_cast %get3A_31 : vector<1x512x1xf32> to vector<512x1xf32>
    %sub3A = vector.broadcast %get3A_32 : vector<512x1xf32> to vector<512x512xf32>
    %sub3A_33 = arith.subf %dot_general3A_27, %sub3A : vector<512x512xf32>
    %reduce_max3A = arith.constant dense<0xFF800000> : vector<512xf32>
    %reduce_max3A_34 = vector.multi_reduction <maximumf>, %sub3A_33, %reduce_max3A [0] : vector<512x512xf32> to vector<512xf32>
    %broadcast_in_dim3A_35 = vector.shape_cast %reduce_max3A_34 : vector<512xf32> to vector<1x512xf32>
    %iota3A = tpu.iota {dimensions = array<i32: 0>} : vector<512x512xi32>
    %eq3A_36 = vector.broadcast %broadcast_in_dim3A_35 : vector<1x512xf32> to vector<512x512xf32>
    %eq3A_37 = arith.cmpf oeq, %sub3A_33, %eq3A_36 : vector<512x512xf32>
    %jit3A = arith.constant 512 : i32
    %broadcast_in_dim3A_38 = vector.broadcast %jit3A : i32 to vector<512x512xi32>
    %select_n3A = arith.select %eq3A_37, %iota3A, %broadcast_in_dim3A_38 : vector<512x512xi1>, vector<512x512xi32>
    %reduce_min3A = arith.constant dense<2147483647> : vector<512xi32>
    %reduce_min3A_39 = vector.multi_reduction <minsi>, %select_n3A, %reduce_min3A [0] : vector<512x512xi32> to vector<512xi32>
    %broadcast_in_dim3A_40 = vector.shape_cast %reduce_min3A_39 : vector<512xi32> to vector<1x512xi32>
    %add3A_41 = vector.broadcast %mul3A_22 : i32 to vector<1x512xi32>
    %add3A_42 = arith.addi %broadcast_in_dim3A_40, %add3A_41 : vector<1x512xi32>
    %gt3A = arith.cmpf ogt, %broadcast_in_dim3A_35, %broadcast_in_dim3A_19 : vector<1x512xf32>
    %select_n3A_43 = arith.select %gt3A, %broadcast_in_dim3A_35, %broadcast_in_dim3A_19 : vector<1x512xi1>, vector<1x512xf32>
    %select_n3A_44 = arith.select %gt3A, %add3A_42, %broadcast_in_dim3A_21 : vector<1x512xi1>, vector<1x512xi32>
    %scan3A_45 = arith.constant 1 : i32
    %mul3A_46 = arith.constant 512 : i32
    %mul3A_47 = arith.muli %scan3A_45, %mul3A_46 : i32
    %get3A_48 = arith.index_cast %mul3A_47 : i32 to index
    %get3A_49 = arith.constant 0 : index
    %get3A_50 = vector.load %arg4[%get3A_48, %get3A_49] : memref<8192x256xf32, #tpu.memory_space<vmem>>, vector<512x256xf32>
    %dot_general3A_51 = arith.constant dense<0.000000e+00> : vector<512x512xf32>
    %dot_general3A_52 = tpu.matmul %get3A_50, %max3A_18, %dot_general3A_51 {dimension_numbers = #tpu.dot_dimension_numbers<[1], [0], [0], [1], [0, 0, 1, 1], [], []>, transpose_lhs_hint = false} : vector<512x256xf32>, vector<256x512xf32>, vector<512x512xf32> -> vector<512x512xf32>
    %get3A_53 = arith.index_cast %scan3A_45 : i32 to index
    %get3A_54 = arith.constant 0 : index
    %get3A_55 = arith.constant 0 : index
    %get3A_56 = vector.load %arg10[%get3A_53, %get3A_54, %get3A_55] : memref<16x512x1xf32, #tpu.memory_space<vmem>>, vector<1x512x1xf32>
    %get3A_57 = vector.shape_cast %get3A_56 : vector<1x512x1xf32> to vector<512x1xf32>
    %sub3A_58 = vector.broadcast %get3A_57 : vector<512x1xf32> to vector<512x512xf32>
    %sub3A_59 = arith.subf %dot_general3A_52, %sub3A_58 : vector<512x512xf32>
    %reduce_max3A_60 = arith.constant dense<0xFF800000> : vector<512xf32>
    %reduce_max3A_61 = vector.multi_reduction <maximumf>, %sub3A_59, %reduce_max3A_60 [0] : vector<512x512xf32> to vector<512xf32>
    %broadcast_in_dim3A_62 = vector.shape_cast %reduce_max3A_61 : vector<512xf32> to vector<1x512xf32>
    %iota3A_63 = tpu.iota {dimensions = array<i32: 0>} : vector<512x512xi32>
    %eq3A_64 = vector.broadcast %broadcast_in_dim3A_62 : vector<1x512xf32> to vector<512x512xf32>
    %eq3A_65 = arith.cmpf oeq, %sub3A_59, %eq3A_64 : vector<512x512xf32>
    %jit3A_66 = arith.constant 512 : i32
    %broadcast_in_dim3A_67 = vector.broadcast %jit3A_66 : i32 to vector<512x512xi32>
    %select_n3A_68 = arith.select %eq3A_65, %iota3A_63, %broadcast_in_dim3A_67 : vector<512x512xi1>, vector<512x512xi32>
    %reduce_min3A_69 = arith.constant dense<2147483647> : vector<512xi32>
    %reduce_min3A_70 = vector.multi_reduction <minsi>, %select_n3A_68, %reduce_min3A_69 [0] : vector<512x512xi32> to vector<512xi32>
    %broadcast_in_dim3A_71 = vector.shape_cast %reduce_min3A_70 : vector<512xi32> to vector<1x512xi32>
    %add3A_72 = vector.broadcast %mul3A_47 : i32 to vector<1x512xi32>
    %add3A_73 = arith.addi %broadcast_in_dim3A_71, %add3A_72 : vector<1x512xi32>
    %gt3A_74 = arith.cmpf ogt, %broadcast_in_dim3A_62, %select_n3A_43 : vector<1x512xf32>
    %select_n3A_75 = arith.select %gt3A_74, %broadcast_in_dim3A_62, %select_n3A_43 : vector<1x512xi1>, vector<1x512xf32>
    %select_n3A_76 = arith.select %gt3A_74, %add3A_73, %select_n3A_44 : vector<1x512xi1>, vector<1x512xi32>
    %scan3A_77 = arith.constant 2 : i32
    %mul3A_78 = arith.constant 512 : i32
    %mul3A_79 = arith.muli %scan3A_77, %mul3A_78 : i32
    %get3A_80 = arith.index_cast %mul3A_79 : i32 to index
    %get3A_81 = arith.constant 0 : index
    %get3A_82 = vector.load %arg4[%get3A_80, %get3A_81] : memref<8192x256xf32, #tpu.memory_space<vmem>>, vector<512x256xf32>
    %dot_general3A_83 = arith.constant dense<0.000000e+00> : vector<512x512xf32>
    %dot_general3A_84 = tpu.matmul %get3A_82, %max3A_18, %dot_general3A_83 {dimension_numbers = #tpu.dot_dimension_numbers<[1], [0], [0], [1], [0, 0, 1, 1], [], []>, transpose_lhs_hint = false} : vector<512x256xf32>, vector<256x512xf32>, vector<512x512xf32> -> vector<512x512xf32>
    %get3A_85 = arith.index_cast %scan3A_77 : i32 to index
    %get3A_86 = arith.constant 0 : index
    %get3A_87 = arith.constant 0 : index
    %get3A_88 = vector.load %arg10[%get3A_85, %get3A_86, %get3A_87] : memref<16x512x1xf32, #tpu.memory_space<vmem>>, vector<1x512x1xf32>
    %get3A_89 = vector.shape_cast %get3A_88 : vector<1x512x1xf32> to vector<512x1xf32>
    %sub3A_90 = vector.broadcast %get3A_89 : vector<512x1xf32> to vector<512x512xf32>
    %sub3A_91 = arith.subf %dot_general3A_84, %sub3A_90 : vector<512x512xf32>
    %reduce_max3A_92 = arith.constant dense<0xFF800000> : vector<512xf32>
    %reduce_max3A_93 = vector.multi_reduction <maximumf>, %sub3A_91, %reduce_max3A_92 [0] : vector<512x512xf32> to vector<512xf32>
    %broadcast_in_dim3A_94 = vector.shape_cast %reduce_max3A_93 : vector<512xf32> to vector<1x512xf32>
    %iota3A_95 = tpu.iota {dimensions = array<i32: 0>} : vector<512x512xi32>
    %eq3A_96 = vector.broadcast %broadcast_in_dim3A_94 : vector<1x512xf32> to vector<512x512xf32>
    %eq3A_97 = arith.cmpf oeq, %sub3A_91, %eq3A_96 : vector<512x512xf32>
    %jit3A_98 = arith.constant 512 : i32
    %broadcast_in_dim3A_99 = vector.broadcast %jit3A_98 : i32 to vector<512x512xi32>
    %select_n3A_100 = arith.select %eq3A_97, %iota3A_95, %broadcast_in_dim3A_99 : vector<512x512xi1>, vector<512x512xi32>
    %reduce_min3A_101 = arith.constant dense<2147483647> : vector<512xi32>
    %reduce_min3A_102 = vector.multi_reduction <minsi>, %select_n3A_100, %reduce_min3A_101 [0] : vector<512x512xi32> to vector<512xi32>
    %broadcast_in_dim3A_103 = vector.shape_cast %reduce_min3A_102 : vector<512xi32> to vector<1x512xi32>
    %add3A_104 = vector.broadcast %mul3A_79 : i32 to vector<1x512xi32>
    %add3A_105 = arith.addi %broadcast_in_dim3A_103, %add3A_104 : vector<1x512xi32>
    %gt3A_106 = arith.cmpf ogt, %broadcast_in_dim3A_94, %select_n3A_75 : vector<1x512xf32>
    %select_n3A_107 = arith.select %gt3A_106, %broadcast_in_dim3A_94, %select_n3A_75 : vector<1x512xi1>, vector<1x512xf32>
    %select_n3A_108 = arith.select %gt3A_106, %add3A_105, %select_n3A_76 : vector<1x512xi1>, vector<1x512xi32>
    %scan3A_109 = arith.constant 3 : i32
    %mul3A_110 = arith.constant 512 : i32
    %mul3A_111 = arith.muli %scan3A_109, %mul3A_110 : i32
    %get3A_112 = arith.index_cast %mul3A_111 : i32 to index
    %get3A_113 = arith.constant 0 : index
    %get3A_114 = vector.load %arg4[%get3A_112, %get3A_113] : memref<8192x256xf32, #tpu.memory_space<vmem>>, vector<512x256xf32>
    %dot_general3A_115 = arith.constant dense<0.000000e+00> : vector<512x512xf32>
    %dot_general3A_116 = tpu.matmul %get3A_114, %max3A_18, %dot_general3A_115 {dimension_numbers = #tpu.dot_dimension_numbers<[1], [0], [0], [1], [0, 0, 1, 1], [], []>, transpose_lhs_hint = false} : vector<512x256xf32>, vector<256x512xf32>, vector<512x512xf32> -> vector<512x512xf32>
    %get3A_117 = arith.index_cast %scan3A_109 : i32 to index
    %get3A_118 = arith.constant 0 : index
    %get3A_119 = arith.constant 0 : index
    %get3A_120 = vector.load %arg10[%get3A_117, %get3A_118, %get3A_119] : memref<16x512x1xf32, #tpu.memory_space<vmem>>, vector<1x512x1xf32>
    %get3A_121 = vector.shape_cast %get3A_120 : vector<1x512x1xf32> to vector<512x1xf32>
    %sub3A_122 = vector.broadcast %get3A_121 : vector<512x1xf32> to vector<512x512xf32>
    %sub3A_123 = arith.subf %dot_general3A_116, %sub3A_122 : vector<512x512xf32>
    %reduce_max3A_124 = arith.constant dense<0xFF800000> : vector<512xf32>
    %reduce_max3A_125 = vector.multi_reduction <maximumf>, %sub3A_123, %reduce_max3A_124 [0] : vector<512x512xf32> to vector<512xf32>
    %broadcast_in_dim3A_126 = vector.shape_cast %reduce_max3A_125 : vector<512xf32> to vector<1x512xf32>
    %iota3A_127 = tpu.iota {dimensions = array<i32: 0>} : vector<512x512xi32>
    %eq3A_128 = vector.broadcast %broadcast_in_dim3A_126 : vector<1x512xf32> to vector<512x512xf32>
    %eq3A_129 = arith.cmpf oeq, %sub3A_123, %eq3A_128 : vector<512x512xf32>
    %jit3A_130 = arith.constant 512 : i32
    %broadcast_in_dim3A_131 = vector.broadcast %jit3A_130 : i32 to vector<512x512xi32>
    %select_n3A_132 = arith.select %eq3A_129, %iota3A_127, %broadcast_in_dim3A_131 : vector<512x512xi1>, vector<512x512xi32>
    %reduce_min3A_133 = arith.constant dense<2147483647> : vector<512xi32>
    %reduce_min3A_134 = vector.multi_reduction <minsi>, %select_n3A_132, %reduce_min3A_133 [0] : vector<512x512xi32> to vector<512xi32>
    %broadcast_in_dim3A_135 = vector.shape_cast %reduce_min3A_134 : vector<512xi32> to vector<1x512xi32>
    %add3A_136 = vector.broadcast %mul3A_111 : i32 to vector<1x512xi32>
    %add3A_137 = arith.addi %broadcast_in_dim3A_135, %add3A_136 : vector<1x512xi32>
    %gt3A_138 = arith.cmpf ogt, %broadcast_in_dim3A_126, %select_n3A_107 : vector<1x512xf32>
    %select_n3A_139 = arith.select %gt3A_138, %broadcast_in_dim3A_126, %select_n3A_107 : vector<1x512xi1>, vector<1x512xf32>
    %select_n3A_140 = arith.select %gt3A_138, %add3A_137, %select_n3A_108 : vector<1x512xi1>, vector<1x512xi32>
    %scan3A_141 = arith.constant 4 : i32
    %mul3A_142 = arith.constant 512 : i32
    %mul3A_143 = arith.muli %scan3A_141, %mul3A_142 : i32
    %get3A_144 = arith.index_cast %mul3A_143 : i32 to index
    %get3A_145 = arith.constant 0 : index
    %get3A_146 = vector.load %arg4[%get3A_144, %get3A_145] : memref<8192x256xf32, #tpu.memory_space<vmem>>, vector<512x256xf32>
    %dot_general3A_147 = arith.constant dense<0.000000e+00> : vector<512x512xf32>
    %dot_general3A_148 = tpu.matmul %get3A_146, %max3A_18, %dot_general3A_147 {dimension_numbers = #tpu.dot_dimension_numbers<[1], [0], [0], [1], [0, 0, 1, 1], [], []>, transpose_lhs_hint = false} : vector<512x256xf32>, vector<256x512xf32>, vector<512x512xf32> -> vector<512x512xf32>
    %get3A_149 = arith.index_cast %scan3A_141 : i32 to index
    %get3A_150 = arith.constant 0 : index
    %get3A_151 = arith.constant 0 : index
    %get3A_152 = vector.load %arg10[%get3A_149, %get3A_150, %get3A_151] : memref<16x512x1xf32, #tpu.memory_space<vmem>>, vector<1x512x1xf32>
    %get3A_153 = vector.shape_cast %get3A_152 : vector<1x512x1xf32> to vector<512x1xf32>
    %sub3A_154 = vector.broadcast %get3A_153 : vector<512x1xf32> to vector<512x512xf32>
    %sub3A_155 = arith.subf %dot_general3A_148, %sub3A_154 : vector<512x512xf32>
    %reduce_max3A_156 = arith.constant dense<0xFF800000> : vector<512xf32>
    %reduce_max3A_157 = vector.multi_reduction <maximumf>, %sub3A_155, %reduce_max3A_156 [0] : vector<512x512xf32> to vector<512xf32>
    %broadcast_in_dim3A_158 = vector.shape_cast %reduce_max3A_157 : vector<512xf32> to vector<1x512xf32>
    %iota3A_159 = tpu.iota {dimensions = array<i32: 0>} : vector<512x512xi32>
    %eq3A_160 = vector.broadcast %broadcast_in_dim3A_158 : vector<1x512xf32> to vector<512x512xf32>
    %eq3A_161 = arith.cmpf oeq, %sub3A_155, %eq3A_160 : vector<512x512xf32>
    %jit3A_162 = arith.constant 512 : i32
    %broadcast_in_dim3A_163 = vector.broadcast %jit3A_162 : i32 to vector<512x512xi32>
    %select_n3A_164 = arith.select %eq3A_161, %iota3A_159, %broadcast_in_dim3A_163 : vector<512x512xi1>, vector<512x512xi32>
    %reduce_min3A_165 = arith.constant dense<2147483647> : vector<512xi32>
    %reduce_min3A_166 = vector.multi_reduction <minsi>, %select_n3A_164, %reduce_min3A_165 [0] : vector<512x512xi32> to vector<512xi32>
    %broadcast_in_dim3A_167 = vector.shape_cast %reduce_min3A_166 : vector<512xi32> to vector<1x512xi32>
    %add3A_168 = vector.broadcast %mul3A_143 : i32 to vector<1x512xi32>
    %add3A_169 = arith.addi %broadcast_in_dim3A_167, %add3A_168 : vector<1x512xi32>
    %gt3A_170 = arith.cmpf ogt, %broadcast_in_dim3A_158, %select_n3A_139 : vector<1x512xf32>
    %select_n3A_171 = arith.select %gt3A_170, %broadcast_in_dim3A_158, %select_n3A_139 : vector<1x512xi1>, vector<1x512xf32>
    %select_n3A_172 = arith.select %gt3A_170, %add3A_169, %select_n3A_140 : vector<1x512xi1>, vector<1x512xi32>
    %scan3A_173 = arith.constant 5 : i32
    %mul3A_174 = arith.constant 512 : i32
    %mul3A_175 = arith.muli %scan3A_173, %mul3A_174 : i32
    %get3A_176 = arith.index_cast %mul3A_175 : i32 to index
    %get3A_177 = arith.constant 0 : index
    %get3A_178 = vector.load %arg4[%get3A_176, %get3A_177] : memref<8192x256xf32, #tpu.memory_space<vmem>>, vector<512x256xf32>
    %dot_general3A_179 = arith.constant dense<0.000000e+00> : vector<512x512xf32>
    %dot_general3A_180 = tpu.matmul %get3A_178, %max3A_18, %dot_general3A_179 {dimension_numbers = #tpu.dot_dimension_numbers<[1], [0], [0], [1], [0, 0, 1, 1], [], []>, transpose_lhs_hint = false} : vector<512x256xf32>, vector<256x512xf32>, vector<512x512xf32> -> vector<512x512xf32>
    %get3A_181 = arith.index_cast %scan3A_173 : i32 to index
    %get3A_182 = arith.constant 0 : index
    %get3A_183 = arith.constant 0 : index
    %get3A_184 = vector.load %arg10[%get3A_181, %get3A_182, %get3A_183] : memref<16x512x1xf32, #tpu.memory_space<vmem>>, vector<1x512x1xf32>
    %get3A_185 = vector.shape_cast %get3A_184 : vector<1x512x1xf32> to vector<512x1xf32>
    %sub3A_186 = vector.broadcast %get3A_185 : vector<512x1xf32> to vector<512x512xf32>
    %sub3A_187 = arith.subf %dot_general3A_180, %sub3A_186 : vector<512x512xf32>
    %reduce_max3A_188 = arith.constant dense<0xFF800000> : vector<512xf32>
    %reduce_max3A_189 = vector.multi_reduction <maximumf>, %sub3A_187, %reduce_max3A_188 [0] : vector<512x512xf32> to vector<512xf32>
    %broadcast_in_dim3A_190 = vector.shape_cast %reduce_max3A_189 : vector<512xf32> to vector<1x512xf32>
    %iota3A_191 = tpu.iota {dimensions = array<i32: 0>} : vector<512x512xi32>
    %eq3A_192 = vector.broadcast %broadcast_in_dim3A_190 : vector<1x512xf32> to vector<512x512xf32>
    %eq3A_193 = arith.cmpf oeq, %sub3A_187, %eq3A_192 : vector<512x512xf32>
    %jit3A_194 = arith.constant 512 : i32
    %broadcast_in_dim3A_195 = vector.broadcast %jit3A_194 : i32 to vector<512x512xi32>
    %select_n3A_196 = arith.select %eq3A_193, %iota3A_191, %broadcast_in_dim3A_195 : vector<512x512xi1>, vector<512x512xi32>
    %reduce_min3A_197 = arith.constant dense<2147483647> : vector<512xi32>
    %reduce_min3A_198 = vector.multi_reduction <minsi>, %select_n3A_196, %reduce_min3A_197 [0] : vector<512x512xi32> to vector<512xi32>
    %broadcast_in_dim3A_199 = vector.shape_cast %reduce_min3A_198 : vector<512xi32> to vector<1x512xi32>
    %add3A_200 = vector.broadcast %mul3A_175 : i32 to vector<1x512xi32>
    %add3A_201 = arith.addi %broadcast_in_dim3A_199, %add3A_200 : vector<1x512xi32>
    %gt3A_202 = arith.cmpf ogt, %broadcast_in_dim3A_190, %select_n3A_171 : vector<1x512xf32>
    %select_n3A_203 = arith.select %gt3A_202, %broadcast_in_dim3A_190, %select_n3A_171 : vector<1x512xi1>, vector<1x512xf32>
    %select_n3A_204 = arith.select %gt3A_202, %add3A_201, %select_n3A_172 : vector<1x512xi1>, vector<1x512xi32>
    %scan3A_205 = arith.constant 6 : i32
    %mul3A_206 = arith.constant 512 : i32
    %mul3A_207 = arith.muli %scan3A_205, %mul3A_206 : i32
    %get3A_208 = arith.index_cast %mul3A_207 : i32 to index
    %get3A_209 = arith.constant 0 : index
    %get3A_210 = vector.load %arg4[%get3A_208, %get3A_209] : memref<8192x256xf32, #tpu.memory_space<vmem>>, vector<512x256xf32>
    %dot_general3A_211 = arith.constant dense<0.000000e+00> : vector<512x512xf32>
    %dot_general3A_212 = tpu.matmul %get3A_210, %max3A_18, %dot_general3A_211 {dimension_numbers = #tpu.dot_dimension_numbers<[1], [0], [0], [1], [0, 0, 1, 1], [], []>, transpose_lhs_hint = false} : vector<512x256xf32>, vector<256x512xf32>, vector<512x512xf32> -> vector<512x512xf32>
    %get3A_213 = arith.index_cast %scan3A_205 : i32 to index
    %get3A_214 = arith.constant 0 : index
    %get3A_215 = arith.constant 0 : index
    %get3A_216 = vector.load %arg10[%get3A_213, %get3A_214, %get3A_215] : memref<16x512x1xf32, #tpu.memory_space<vmem>>, vector<1x512x1xf32>
    %get3A_217 = vector.shape_cast %get3A_216 : vector<1x512x1xf32> to vector<512x1xf32>
    %sub3A_218 = vector.broadcast %get3A_217 : vector<512x1xf32> to vector<512x512xf32>
    %sub3A_219 = arith.subf %dot_general3A_212, %sub3A_218 : vector<512x512xf32>
    %reduce_max3A_220 = arith.constant dense<0xFF800000> : vector<512xf32>
    %reduce_max3A_221 = vector.multi_reduction <maximumf>, %sub3A_219, %reduce_max3A_220 [0] : vector<512x512xf32> to vector<512xf32>
    %broadcast_in_dim3A_222 = vector.shape_cast %reduce_max3A_221 : vector<512xf32> to vector<1x512xf32>
    %iota3A_223 = tpu.iota {dimensions = array<i32: 0>} : vector<512x512xi32>
    %eq3A_224 = vector.broadcast %broadcast_in_dim3A_222 : vector<1x512xf32> to vector<512x512xf32>
    %eq3A_225 = arith.cmpf oeq, %sub3A_219, %eq3A_224 : vector<512x512xf32>
    %jit3A_226 = arith.constant 512 : i32
    %broadcast_in_dim3A_227 = vector.broadcast %jit3A_226 : i32 to vector<512x512xi32>
    %select_n3A_228 = arith.select %eq3A_225, %iota3A_223, %broadcast_in_dim3A_227 : vector<512x512xi1>, vector<512x512xi32>
    %reduce_min3A_229 = arith.constant dense<2147483647> : vector<512xi32>
    %reduce_min3A_230 = vector.multi_reduction <minsi>, %select_n3A_228, %reduce_min3A_229 [0] : vector<512x512xi32> to vector<512xi32>
    %broadcast_in_dim3A_231 = vector.shape_cast %reduce_min3A_230 : vector<512xi32> to vector<1x512xi32>
    %add3A_232 = vector.broadcast %mul3A_207 : i32 to vector<1x512xi32>
    %add3A_233 = arith.addi %broadcast_in_dim3A_231, %add3A_232 : vector<1x512xi32>
    %gt3A_234 = arith.cmpf ogt, %broadcast_in_dim3A_222, %select_n3A_203 : vector<1x512xf32>
    %select_n3A_235 = arith.select %gt3A_234, %broadcast_in_dim3A_222, %select_n3A_203 : vector<1x512xi1>, vector<1x512xf32>
    %select_n3A_236 = arith.select %gt3A_234, %add3A_233, %select_n3A_204 : vector<1x512xi1>, vector<1x512xi32>
    %scan3A_237 = arith.constant 7 : i32
    %mul3A_238 = arith.constant 512 : i32
    %mul3A_239 = arith.muli %scan3A_237, %mul3A_238 : i32
    %get3A_240 = arith.index_cast %mul3A_239 : i32 to index
    %get3A_241 = arith.constant 0 : index
    %get3A_242 = vector.load %arg4[%get3A_240, %get3A_241] : memref<8192x256xf32, #tpu.memory_space<vmem>>, vector<512x256xf32>
    %dot_general3A_243 = arith.constant dense<0.000000e+00> : vector<512x512xf32>
    %dot_general3A_244 = tpu.matmul %get3A_242, %max3A_18, %dot_general3A_243 {dimension_numbers = #tpu.dot_dimension_numbers<[1], [0], [0], [1], [0, 0, 1, 1], [], []>, transpose_lhs_hint = false} : vector<512x256xf32>, vector<256x512xf32>, vector<512x512xf32> -> vector<512x512xf32>
    %get3A_245 = arith.index_cast %scan3A_237 : i32 to index
    %get3A_246 = arith.constant 0 : index
    %get3A_247 = arith.constant 0 : index
    %get3A_248 = vector.load %arg10[%get3A_245, %get3A_246, %get3A_247] : memref<16x512x1xf32, #tpu.memory_space<vmem>>, vector<1x512x1xf32>
    %get3A_249 = vector.shape_cast %get3A_248 : vector<1x512x1xf32> to vector<512x1xf32>
    %sub3A_250 = vector.broadcast %get3A_249 : vector<512x1xf32> to vector<512x512xf32>
    %sub3A_251 = arith.subf %dot_general3A_244, %sub3A_250 : vector<512x512xf32>
    %reduce_max3A_252 = arith.constant dense<0xFF800000> : vector<512xf32>
    %reduce_max3A_253 = vector.multi_reduction <maximumf>, %sub3A_251, %reduce_max3A_252 [0] : vector<512x512xf32> to vector<512xf32>
    %broadcast_in_dim3A_254 = vector.shape_cast %reduce_max3A_253 : vector<512xf32> to vector<1x512xf32>
    %iota3A_255 = tpu.iota {dimensions = array<i32: 0>} : vector<512x512xi32>
    %eq3A_256 = vector.broadcast %broadcast_in_dim3A_254 : vector<1x512xf32> to vector<512x512xf32>
    %eq3A_257 = arith.cmpf oeq, %sub3A_251, %eq3A_256 : vector<512x512xf32>
    %jit3A_258 = arith.constant 512 : i32
    %broadcast_in_dim3A_259 = vector.broadcast %jit3A_258 : i32 to vector<512x512xi32>
    %select_n3A_260 = arith.select %eq3A_257, %iota3A_255, %broadcast_in_dim3A_259 : vector<512x512xi1>, vector<512x512xi32>
    %reduce_min3A_261 = arith.constant dense<2147483647> : vector<512xi32>
    %reduce_min3A_262 = vector.multi_reduction <minsi>, %select_n3A_260, %reduce_min3A_261 [0] : vector<512x512xi32> to vector<512xi32>
    %broadcast_in_dim3A_263 = vector.shape_cast %reduce_min3A_262 : vector<512xi32> to vector<1x512xi32>
    %add3A_264 = vector.broadcast %mul3A_239 : i32 to vector<1x512xi32>
    %add3A_265 = arith.addi %broadcast_in_dim3A_263, %add3A_264 : vector<1x512xi32>
    %gt3A_266 = arith.cmpf ogt, %broadcast_in_dim3A_254, %select_n3A_235 : vector<1x512xf32>
    %select_n3A_267 = arith.select %gt3A_266, %broadcast_in_dim3A_254, %select_n3A_235 : vector<1x512xi1>, vector<1x512xf32>
    %select_n3A_268 = arith.select %gt3A_266, %add3A_265, %select_n3A_236 : vector<1x512xi1>, vector<1x512xi32>
    %scan3A_269 = arith.constant 8 : i32
    %mul3A_270 = arith.constant 512 : i32
    %mul3A_271 = arith.muli %scan3A_269, %mul3A_270 : i32
    %get3A_272 = arith.index_cast %mul3A_271 : i32 to index
    %get3A_273 = arith.constant 0 : index
    %get3A_274 = vector.load %arg4[%get3A_272, %get3A_273] : memref<8192x256xf32, #tpu.memory_space<vmem>>, vector<512x256xf32>
    %dot_general3A_275 = arith.constant dense<0.000000e+00> : vector<512x512xf32>
    %dot_general3A_276 = tpu.matmul %get3A_274, %max3A_18, %dot_general3A_275 {dimension_numbers = #tpu.dot_dimension_numbers<[1], [0], [0], [1], [0, 0, 1, 1], [], []>, transpose_lhs_hint = false} : vector<512x256xf32>, vector<256x512xf32>, vector<512x512xf32> -> vector<512x512xf32>
    %get3A_277 = arith.index_cast %scan3A_269 : i32 to index
    %get3A_278 = arith.constant 0 : index
    %get3A_279 = arith.constant 0 : index
    %get3A_280 = vector.load %arg10[%get3A_277, %get3A_278, %get3A_279] : memref<16x512x1xf32, #tpu.memory_space<vmem>>, vector<1x512x1xf32>
    %get3A_281 = vector.shape_cast %get3A_280 : vector<1x512x1xf32> to vector<512x1xf32>
    %sub3A_282 = vector.broadcast %get3A_281 : vector<512x1xf32> to vector<512x512xf32>
    %sub3A_283 = arith.subf %dot_general3A_276, %sub3A_282 : vector<512x512xf32>
    %reduce_max3A_284 = arith.constant dense<0xFF800000> : vector<512xf32>
    %reduce_max3A_285 = vector.multi_reduction <maximumf>, %sub3A_283, %reduce_max3A_284 [0] : vector<512x512xf32> to vector<512xf32>
    %broadcast_in_dim3A_286 = vector.shape_cast %reduce_max3A_285 : vector<512xf32> to vector<1x512xf32>
    %iota3A_287 = tpu.iota {dimensions = array<i32: 0>} : vector<512x512xi32>
    %eq3A_288 = vector.broadcast %broadcast_in_dim3A_286 : vector<1x512xf32> to vector<512x512xf32>
    %eq3A_289 = arith.cmpf oeq, %sub3A_283, %eq3A_288 : vector<512x512xf32>
    %jit3A_290 = arith.constant 512 : i32
    %broadcast_in_dim3A_291 = vector.broadcast %jit3A_290 : i32 to vector<512x512xi32>
    %select_n3A_292 = arith.select %eq3A_289, %iota3A_287, %broadcast_in_dim3A_291 : vector<512x512xi1>, vector<512x512xi32>
    %reduce_min3A_293 = arith.constant dense<2147483647> : vector<512xi32>
    %reduce_min3A_294 = vector.multi_reduction <minsi>, %select_n3A_292, %reduce_min3A_293 [0] : vector<512x512xi32> to vector<512xi32>
    %broadcast_in_dim3A_295 = vector.shape_cast %reduce_min3A_294 : vector<512xi32> to vector<1x512xi32>
    %add3A_296 = vector.broadcast %mul3A_271 : i32 to vector<1x512xi32>
    %add3A_297 = arith.addi %broadcast_in_dim3A_295, %add3A_296 : vector<1x512xi32>
    %gt3A_298 = arith.cmpf ogt, %broadcast_in_dim3A_286, %select_n3A_267 : vector<1x512xf32>
    %select_n3A_299 = arith.select %gt3A_298, %broadcast_in_dim3A_286, %select_n3A_267 : vector<1x512xi1>, vector<1x512xf32>
    %select_n3A_300 = arith.select %gt3A_298, %add3A_297, %select_n3A_268 : vector<1x512xi1>, vector<1x512xi32>
    %scan3A_301 = arith.constant 9 : i32
    %mul3A_302 = arith.constant 512 : i32
    %mul3A_303 = arith.muli %scan3A_301, %mul3A_302 : i32
    %get3A_304 = arith.index_cast %mul3A_303 : i32 to index
    %get3A_305 = arith.constant 0 : index
    %get3A_306 = vector.load %arg4[%get3A_304, %get3A_305] : memref<8192x256xf32, #tpu.memory_space<vmem>>, vector<512x256xf32>
    %dot_general3A_307 = arith.constant dense<0.000000e+00> : vector<512x512xf32>
    %dot_general3A_308 = tpu.matmul %get3A_306, %max3A_18, %dot_general3A_307 {dimension_numbers = #tpu.dot_dimension_numbers<[1], [0], [0], [1], [0, 0, 1, 1], [], []>, transpose_lhs_hint = false} : vector<512x256xf32>, vector<256x512xf32>, vector<512x512xf32> -> vector<512x512xf32>
    %get3A_309 = arith.index_cast %scan3A_301 : i32 to index
    %get3A_310 = arith.constant 0 : index
    %get3A_311 = arith.constant 0 : index
    %get3A_312 = vector.load %arg10[%get3A_309, %get3A_310, %get3A_311] : memref<16x512x1xf32, #tpu.memory_space<vmem>>, vector<1x512x1xf32>
    %get3A_313 = vector.shape_cast %get3A_312 : vector<1x512x1xf32> to vector<512x1xf32>
    %sub3A_314 = vector.broadcast %get3A_313 : vector<512x1xf32> to vector<512x512xf32>
    %sub3A_315 = arith.subf %dot_general3A_308, %sub3A_314 : vector<512x512xf32>
    %reduce_max3A_316 = arith.constant dense<0xFF800000> : vector<512xf32>
    %reduce_max3A_317 = vector.multi_reduction <maximumf>, %sub3A_315, %reduce_max3A_316 [0] : vector<512x512xf32> to vector<512xf32>
    %broadcast_in_dim3A_318 = vector.shape_cast %reduce_max3A_317 : vector<512xf32> to vector<1x512xf32>
    %iota3A_319 = tpu.iota {dimensions = array<i32: 0>} : vector<512x512xi32>
    %eq3A_320 = vector.broadcast %broadcast_in_dim3A_318 : vector<1x512xf32> to vector<512x512xf32>
    %eq3A_321 = arith.cmpf oeq, %sub3A_315, %eq3A_320 : vector<512x512xf32>
    %jit3A_322 = arith.constant 512 : i32
    %broadcast_in_dim3A_323 = vector.broadcast %jit3A_322 : i32 to vector<512x512xi32>
    %select_n3A_324 = arith.select %eq3A_321, %iota3A_319, %broadcast_in_dim3A_323 : vector<512x512xi1>, vector<512x512xi32>
    %reduce_min3A_325 = arith.constant dense<2147483647> : vector<512xi32>
    %reduce_min3A_326 = vector.multi_reduction <minsi>, %select_n3A_324, %reduce_min3A_325 [0] : vector<512x512xi32> to vector<512xi32>
    %broadcast_in_dim3A_327 = vector.shape_cast %reduce_min3A_326 : vector<512xi32> to vector<1x512xi32>
    %add3A_328 = vector.broadcast %mul3A_303 : i32 to vector<1x512xi32>
    %add3A_329 = arith.addi %broadcast_in_dim3A_327, %add3A_328 : vector<1x512xi32>
    %gt3A_330 = arith.cmpf ogt, %broadcast_in_dim3A_318, %select_n3A_299 : vector<1x512xf32>
    %select_n3A_331 = arith.select %gt3A_330, %broadcast_in_dim3A_318, %select_n3A_299 : vector<1x512xi1>, vector<1x512xf32>
    %select_n3A_332 = arith.select %gt3A_330, %add3A_329, %select_n3A_300 : vector<1x512xi1>, vector<1x512xi32>
    %scan3A_333 = arith.constant 10 : i32
    %mul3A_334 = arith.constant 512 : i32
    %mul3A_335 = arith.muli %scan3A_333, %mul3A_334 : i32
    %get3A_336 = arith.index_cast %mul3A_335 : i32 to index
    %get3A_337 = arith.constant 0 : index
    %get3A_338 = vector.load %arg4[%get3A_336, %get3A_337] : memref<8192x256xf32, #tpu.memory_space<vmem>>, vector<512x256xf32>
    %dot_general3A_339 = arith.constant dense<0.000000e+00> : vector<512x512xf32>
    %dot_general3A_340 = tpu.matmul %get3A_338, %max3A_18, %dot_general3A_339 {dimension_numbers = #tpu.dot_dimension_numbers<[1], [0], [0], [1], [0, 0, 1, 1], [], []>, transpose_lhs_hint = false} : vector<512x256xf32>, vector<256x512xf32>, vector<512x512xf32> -> vector<512x512xf32>
    %get3A_341 = arith.index_cast %scan3A_333 : i32 to index
    %get3A_342 = arith.constant 0 : index
    %get3A_343 = arith.constant 0 : index
    %get3A_344 = vector.load %arg10[%get3A_341, %get3A_342, %get3A_343] : memref<16x512x1xf32, #tpu.memory_space<vmem>>, vector<1x512x1xf32>
    %get3A_345 = vector.shape_cast %get3A_344 : vector<1x512x1xf32> to vector<512x1xf32>
    %sub3A_346 = vector.broadcast %get3A_345 : vector<512x1xf32> to vector<512x512xf32>
    %sub3A_347 = arith.subf %dot_general3A_340, %sub3A_346 : vector<512x512xf32>
    %reduce_max3A_348 = arith.constant dense<0xFF800000> : vector<512xf32>
    %reduce_max3A_349 = vector.multi_reduction <maximumf>, %sub3A_347, %reduce_max3A_348 [0] : vector<512x512xf32> to vector<512xf32>
    %broadcast_in_dim3A_350 = vector.shape_cast %reduce_max3A_349 : vector<512xf32> to vector<1x512xf32>
    %iota3A_351 = tpu.iota {dimensions = array<i32: 0>} : vector<512x512xi32>
    %eq3A_352 = vector.broadcast %broadcast_in_dim3A_350 : vector<1x512xf32> to vector<512x512xf32>
    %eq3A_353 = arith.cmpf oeq, %sub3A_347, %eq3A_352 : vector<512x512xf32>
    %jit3A_354 = arith.constant 512 : i32
    %broadcast_in_dim3A_355 = vector.broadcast %jit3A_354 : i32 to vector<512x512xi32>
    %select_n3A_356 = arith.select %eq3A_353, %iota3A_351, %broadcast_in_dim3A_355 : vector<512x512xi1>, vector<512x512xi32>
    %reduce_min3A_357 = arith.constant dense<2147483647> : vector<512xi32>
    %reduce_min3A_358 = vector.multi_reduction <minsi>, %select_n3A_356, %reduce_min3A_357 [0] : vector<512x512xi32> to vector<512xi32>
    %broadcast_in_dim3A_359 = vector.shape_cast %reduce_min3A_358 : vector<512xi32> to vector<1x512xi32>
    %add3A_360 = vector.broadcast %mul3A_335 : i32 to vector<1x512xi32>
    %add3A_361 = arith.addi %broadcast_in_dim3A_359, %add3A_360 : vector<1x512xi32>
    %gt3A_362 = arith.cmpf ogt, %broadcast_in_dim3A_350, %select_n3A_331 : vector<1x512xf32>
    %select_n3A_363 = arith.select %gt3A_362, %broadcast_in_dim3A_350, %select_n3A_331 : vector<1x512xi1>, vector<1x512xf32>
    %select_n3A_364 = arith.select %gt3A_362, %add3A_361, %select_n3A_332 : vector<1x512xi1>, vector<1x512xi32>
    %scan3A_365 = arith.constant 11 : i32
    %mul3A_366 = arith.constant 512 : i32
    %mul3A_367 = arith.muli %scan3A_365, %mul3A_366 : i32
    %get3A_368 = arith.index_cast %mul3A_367 : i32 to index
    %get3A_369 = arith.constant 0 : index
    %get3A_370 = vector.load %arg4[%get3A_368, %get3A_369] : memref<8192x256xf32, #tpu.memory_space<vmem>>, vector<512x256xf32>
    %dot_general3A_371 = arith.constant dense<0.000000e+00> : vector<512x512xf32>
    %dot_general3A_372 = tpu.matmul %get3A_370, %max3A_18, %dot_general3A_371 {dimension_numbers = #tpu.dot_dimension_numbers<[1], [0], [0], [1], [0, 0, 1, 1], [], []>, transpose_lhs_hint = false} : vector<512x256xf32>, vector<256x512xf32>, vector<512x512xf32> -> vector<512x512xf32>
    %get3A_373 = arith.index_cast %scan3A_365 : i32 to index
    %get3A_374 = arith.constant 0 : index
    %get3A_375 = arith.constant 0 : index
    %get3A_376 = vector.load %arg10[%get3A_373, %get3A_374, %get3A_375] : memref<16x512x1xf32, #tpu.memory_space<vmem>>, vector<1x512x1xf32>
    %get3A_377 = vector.shape_cast %get3A_376 : vector<1x512x1xf32> to vector<512x1xf32>
    %sub3A_378 = vector.broadcast %get3A_377 : vector<512x1xf32> to vector<512x512xf32>
    %sub3A_379 = arith.subf %dot_general3A_372, %sub3A_378 : vector<512x512xf32>
    %reduce_max3A_380 = arith.constant dense<0xFF800000> : vector<512xf32>
    %reduce_max3A_381 = vector.multi_reduction <maximumf>, %sub3A_379, %reduce_max3A_380 [0] : vector<512x512xf32> to vector<512xf32>
    %broadcast_in_dim3A_382 = vector.shape_cast %reduce_max3A_381 : vector<512xf32> to vector<1x512xf32>
    %iota3A_383 = tpu.iota {dimensions = array<i32: 0>} : vector<512x512xi32>
    %eq3A_384 = vector.broadcast %broadcast_in_dim3A_382 : vector<1x512xf32> to vector<512x512xf32>
    %eq3A_385 = arith.cmpf oeq, %sub3A_379, %eq3A_384 : vector<512x512xf32>
    %jit3A_386 = arith.constant 512 : i32
    %broadcast_in_dim3A_387 = vector.broadcast %jit3A_386 : i32 to vector<512x512xi32>
    %select_n3A_388 = arith.select %eq3A_385, %iota3A_383, %broadcast_in_dim3A_387 : vector<512x512xi1>, vector<512x512xi32>
    %reduce_min3A_389 = arith.constant dense<2147483647> : vector<512xi32>
    %reduce_min3A_390 = vector.multi_reduction <minsi>, %select_n3A_388, %reduce_min3A_389 [0] : vector<512x512xi32> to vector<512xi32>
    %broadcast_in_dim3A_391 = vector.shape_cast %reduce_min3A_390 : vector<512xi32> to vector<1x512xi32>
    %add3A_392 = vector.broadcast %mul3A_367 : i32 to vector<1x512xi32>
    %add3A_393 = arith.addi %broadcast_in_dim3A_391, %add3A_392 : vector<1x512xi32>
    %gt3A_394 = arith.cmpf ogt, %broadcast_in_dim3A_382, %select_n3A_363 : vector<1x512xf32>
    %select_n3A_395 = arith.select %gt3A_394, %broadcast_in_dim3A_382, %select_n3A_363 : vector<1x512xi1>, vector<1x512xf32>
    %select_n3A_396 = arith.select %gt3A_394, %add3A_393, %select_n3A_364 : vector<1x512xi1>, vector<1x512xi32>
    %scan3A_397 = arith.constant 12 : i32
    %mul3A_398 = arith.constant 512 : i32
    %mul3A_399 = arith.muli %scan3A_397, %mul3A_398 : i32
    %get3A_400 = arith.index_cast %mul3A_399 : i32 to index
    %get3A_401 = arith.constant 0 : index
    %get3A_402 = vector.load %arg4[%get3A_400, %get3A_401] : memref<8192x256xf32, #tpu.memory_space<vmem>>, vector<512x256xf32>
    %dot_general3A_403 = arith.constant dense<0.000000e+00> : vector<512x512xf32>
    %dot_general3A_404 = tpu.matmul %get3A_402, %max3A_18, %dot_general3A_403 {dimension_numbers = #tpu.dot_dimension_numbers<[1], [0], [0], [1], [0, 0, 1, 1], [], []>, transpose_lhs_hint = false} : vector<512x256xf32>, vector<256x512xf32>, vector<512x512xf32> -> vector<512x512xf32>
    %get3A_405 = arith.index_cast %scan3A_397 : i32 to index
    %get3A_406 = arith.constant 0 : index
    %get3A_407 = arith.constant 0 : index
    %get3A_408 = vector.load %arg10[%get3A_405, %get3A_406, %get3A_407] : memref<16x512x1xf32, #tpu.memory_space<vmem>>, vector<1x512x1xf32>
    %get3A_409 = vector.shape_cast %get3A_408 : vector<1x512x1xf32> to vector<512x1xf32>
    %sub3A_410 = vector.broadcast %get3A_409 : vector<512x1xf32> to vector<512x512xf32>
    %sub3A_411 = arith.subf %dot_general3A_404, %sub3A_410 : vector<512x512xf32>
    %reduce_max3A_412 = arith.constant dense<0xFF800000> : vector<512xf32>
    %reduce_max3A_413 = vector.multi_reduction <maximumf>, %sub3A_411, %reduce_max3A_412 [0] : vector<512x512xf32> to vector<512xf32>
    %broadcast_in_dim3A_414 = vector.shape_cast %reduce_max3A_413 : vector<512xf32> to vector<1x512xf32>
    %iota3A_415 = tpu.iota {dimensions = array<i32: 0>} : vector<512x512xi32>
    %eq3A_416 = vector.broadcast %broadcast_in_dim3A_414 : vector<1x512xf32> to vector<512x512xf32>
    %eq3A_417 = arith.cmpf oeq, %sub3A_411, %eq3A_416 : vector<512x512xf32>
    %jit3A_418 = arith.constant 512 : i32
    %broadcast_in_dim3A_419 = vector.broadcast %jit3A_418 : i32 to vector<512x512xi32>
    %select_n3A_420 = arith.select %eq3A_417, %iota3A_415, %broadcast_in_dim3A_419 : vector<512x512xi1>, vector<512x512xi32>
    %reduce_min3A_421 = arith.constant dense<2147483647> : vector<512xi32>
    %reduce_min3A_422 = vector.multi_reduction <minsi>, %select_n3A_420, %reduce_min3A_421 [0] : vector<512x512xi32> to vector<512xi32>
    %broadcast_in_dim3A_423 = vector.shape_cast %reduce_min3A_422 : vector<512xi32> to vector<1x512xi32>
    %add3A_424 = vector.broadcast %mul3A_399 : i32 to vector<1x512xi32>
    %add3A_425 = arith.addi %broadcast_in_dim3A_423, %add3A_424 : vector<1x512xi32>
    %gt3A_426 = arith.cmpf ogt, %broadcast_in_dim3A_414, %select_n3A_395 : vector<1x512xf32>
    %select_n3A_427 = arith.select %gt3A_426, %broadcast_in_dim3A_414, %select_n3A_395 : vector<1x512xi1>, vector<1x512xf32>
    %select_n3A_428 = arith.select %gt3A_426, %add3A_425, %select_n3A_396 : vector<1x512xi1>, vector<1x512xi32>
    %scan3A_429 = arith.constant 13 : i32
    %mul3A_430 = arith.constant 512 : i32
    %mul3A_431 = arith.muli %scan3A_429, %mul3A_430 : i32
    %get3A_432 = arith.index_cast %mul3A_431 : i32 to index
    %get3A_433 = arith.constant 0 : index
    %get3A_434 = vector.load %arg4[%get3A_432, %get3A_433] : memref<8192x256xf32, #tpu.memory_space<vmem>>, vector<512x256xf32>
    %dot_general3A_435 = arith.constant dense<0.000000e+00> : vector<512x512xf32>
    %dot_general3A_436 = tpu.matmul %get3A_434, %max3A_18, %dot_general3A_435 {dimension_numbers = #tpu.dot_dimension_numbers<[1], [0], [0], [1], [0, 0, 1, 1], [], []>, transpose_lhs_hint = false} : vector<512x256xf32>, vector<256x512xf32>, vector<512x512xf32> -> vector<512x512xf32>
    %get3A_437 = arith.index_cast %scan3A_429 : i32 to index
    %get3A_438 = arith.constant 0 : index
    %get3A_439 = arith.constant 0 : index
    %get3A_440 = vector.load %arg10[%get3A_437, %get3A_438, %get3A_439] : memref<16x512x1xf32, #tpu.memory_space<vmem>>, vector<1x512x1xf32>
    %get3A_441 = vector.shape_cast %get3A_440 : vector<1x512x1xf32> to vector<512x1xf32>
    %sub3A_442 = vector.broadcast %get3A_441 : vector<512x1xf32> to vector<512x512xf32>
    %sub3A_443 = arith.subf %dot_general3A_436, %sub3A_442 : vector<512x512xf32>
    %reduce_max3A_444 = arith.constant dense<0xFF800000> : vector<512xf32>
    %reduce_max3A_445 = vector.multi_reduction <maximumf>, %sub3A_443, %reduce_max3A_444 [0] : vector<512x512xf32> to vector<512xf32>
    %broadcast_in_dim3A_446 = vector.shape_cast %reduce_max3A_445 : vector<512xf32> to vector<1x512xf32>
    %iota3A_447 = tpu.iota {dimensions = array<i32: 0>} : vector<512x512xi32>
    %eq3A_448 = vector.broadcast %broadcast_in_dim3A_446 : vector<1x512xf32> to vector<512x512xf32>
    %eq3A_449 = arith.cmpf oeq, %sub3A_443, %eq3A_448 : vector<512x512xf32>
    %jit3A_450 = arith.constant 512 : i32
    %broadcast_in_dim3A_451 = vector.broadcast %jit3A_450 : i32 to vector<512x512xi32>
    %select_n3A_452 = arith.select %eq3A_449, %iota3A_447, %broadcast_in_dim3A_451 : vector<512x512xi1>, vector<512x512xi32>
    %reduce_min3A_453 = arith.constant dense<2147483647> : vector<512xi32>
    %reduce_min3A_454 = vector.multi_reduction <minsi>, %select_n3A_452, %reduce_min3A_453 [0] : vector<512x512xi32> to vector<512xi32>
    %broadcast_in_dim3A_455 = vector.shape_cast %reduce_min3A_454 : vector<512xi32> to vector<1x512xi32>
    %add3A_456 = vector.broadcast %mul3A_431 : i32 to vector<1x512xi32>
    %add3A_457 = arith.addi %broadcast_in_dim3A_455, %add3A_456 : vector<1x512xi32>
    %gt3A_458 = arith.cmpf ogt, %broadcast_in_dim3A_446, %select_n3A_427 : vector<1x512xf32>
    %select_n3A_459 = arith.select %gt3A_458, %broadcast_in_dim3A_446, %select_n3A_427 : vector<1x512xi1>, vector<1x512xf32>
    %select_n3A_460 = arith.select %gt3A_458, %add3A_457, %select_n3A_428 : vector<1x512xi1>, vector<1x512xi32>
    %scan3A_461 = arith.constant 14 : i32
    %mul3A_462 = arith.constant 512 : i32
    %mul3A_463 = arith.muli %scan3A_461, %mul3A_462 : i32
    %get3A_464 = arith.index_cast %mul3A_463 : i32 to index
    %get3A_465 = arith.constant 0 : index
    %get3A_466 = vector.load %arg4[%get3A_464, %get3A_465] : memref<8192x256xf32, #tpu.memory_space<vmem>>, vector<512x256xf32>
    %dot_general3A_467 = arith.constant dense<0.000000e+00> : vector<512x512xf32>
    %dot_general3A_468 = tpu.matmul %get3A_466, %max3A_18, %dot_general3A_467 {dimension_numbers = #tpu.dot_dimension_numbers<[1], [0], [0], [1], [0, 0, 1, 1], [], []>, transpose_lhs_hint = false} : vector<512x256xf32>, vector<256x512xf32>, vector<512x512xf32> -> vector<512x512xf32>
    %get3A_469 = arith.index_cast %scan3A_461 : i32 to index
    %get3A_470 = arith.constant 0 : index
    %get3A_471 = arith.constant 0 : index
    %get3A_472 = vector.load %arg10[%get3A_469, %get3A_470, %get3A_471] : memref<16x512x1xf32, #tpu.memory_space<vmem>>, vector<1x512x1xf32>
    %get3A_473 = vector.shape_cast %get3A_472 : vector<1x512x1xf32> to vector<512x1xf32>
    %sub3A_474 = vector.broadcast %get3A_473 : vector<512x1xf32> to vector<512x512xf32>
    %sub3A_475 = arith.subf %dot_general3A_468, %sub3A_474 : vector<512x512xf32>
    %reduce_max3A_476 = arith.constant dense<0xFF800000> : vector<512xf32>
    %reduce_max3A_477 = vector.multi_reduction <maximumf>, %sub3A_475, %reduce_max3A_476 [0] : vector<512x512xf32> to vector<512xf32>
    %broadcast_in_dim3A_478 = vector.shape_cast %reduce_max3A_477 : vector<512xf32> to vector<1x512xf32>
    %iota3A_479 = tpu.iota {dimensions = array<i32: 0>} : vector<512x512xi32>
    %eq3A_480 = vector.broadcast %broadcast_in_dim3A_478 : vector<1x512xf32> to vector<512x512xf32>
    %eq3A_481 = arith.cmpf oeq, %sub3A_475, %eq3A_480 : vector<512x512xf32>
    %jit3A_482 = arith.constant 512 : i32
    %broadcast_in_dim3A_483 = vector.broadcast %jit3A_482 : i32 to vector<512x512xi32>
    %select_n3A_484 = arith.select %eq3A_481, %iota3A_479, %broadcast_in_dim3A_483 : vector<512x512xi1>, vector<512x512xi32>
    %reduce_min3A_485 = arith.constant dense<2147483647> : vector<512xi32>
    %reduce_min3A_486 = vector.multi_reduction <minsi>, %select_n3A_484, %reduce_min3A_485 [0] : vector<512x512xi32> to vector<512xi32>
    %broadcast_in_dim3A_487 = vector.shape_cast %reduce_min3A_486 : vector<512xi32> to vector<1x512xi32>
    %add3A_488 = vector.broadcast %mul3A_463 : i32 to vector<1x512xi32>
    %add3A_489 = arith.addi %broadcast_in_dim3A_487, %add3A_488 : vector<1x512xi32>
    %gt3A_490 = arith.cmpf ogt, %broadcast_in_dim3A_478, %select_n3A_459 : vector<1x512xf32>
    %select_n3A_491 = arith.select %gt3A_490, %broadcast_in_dim3A_478, %select_n3A_459 : vector<1x512xi1>, vector<1x512xf32>
    %select_n3A_492 = arith.select %gt3A_490, %add3A_489, %select_n3A_460 : vector<1x512xi1>, vector<1x512xi32>
    %scan3A_493 = arith.constant 15 : i32
    %mul3A_494 = arith.constant 512 : i32
    %mul3A_495 = arith.muli %scan3A_493, %mul3A_494 : i32
    %get3A_496 = arith.index_cast %mul3A_495 : i32 to index
    %get3A_497 = arith.constant 0 : index
    %get3A_498 = vector.load %arg4[%get3A_496, %get3A_497] : memref<8192x256xf32, #tpu.memory_space<vmem>>, vector<512x256xf32>
    %dot_general3A_499 = arith.constant dense<0.000000e+00> : vector<512x512xf32>
    %dot_general3A_500 = tpu.matmul %get3A_498, %max3A_18, %dot_general3A_499 {dimension_numbers = #tpu.dot_dimension_numbers<[1], [0], [0], [1], [0, 0, 1, 1], [], []>, transpose_lhs_hint = false} : vector<512x256xf32>, vector<256x512xf32>, vector<512x512xf32> -> vector<512x512xf32>
    %get3A_501 = arith.index_cast %scan3A_493 : i32 to index
    %get3A_502 = arith.constant 0 : index
    %get3A_503 = arith.constant 0 : index
    %get3A_504 = vector.load %arg10[%get3A_501, %get3A_502, %get3A_503] : memref<16x512x1xf32, #tpu.memory_space<vmem>>, vector<1x512x1xf32>
    %get3A_505 = vector.shape_cast %get3A_504 : vector<1x512x1xf32> to vector<512x1xf32>
    %sub3A_506 = vector.broadcast %get3A_505 : vector<512x1xf32> to vector<512x512xf32>
    %sub3A_507 = arith.subf %dot_general3A_500, %sub3A_506 : vector<512x512xf32>
    %reduce_max3A_508 = arith.constant dense<0xFF800000> : vector<512xf32>
    %reduce_max3A_509 = vector.multi_reduction <maximumf>, %sub3A_507, %reduce_max3A_508 [0] : vector<512x512xf32> to vector<512xf32>
    %broadcast_in_dim3A_510 = vector.shape_cast %reduce_max3A_509 : vector<512xf32> to vector<1x512xf32>
    %iota3A_511 = tpu.iota {dimensions = array<i32: 0>} : vector<512x512xi32>
    %eq3A_512 = vector.broadcast %broadcast_in_dim3A_510 : vector<1x512xf32> to vector<512x512xf32>
    %eq3A_513 = arith.cmpf oeq, %sub3A_507, %eq3A_512 : vector<512x512xf32>
    %jit3A_514 = arith.constant 512 : i32
    %broadcast_in_dim3A_515 = vector.broadcast %jit3A_514 : i32 to vector<512x512xi32>
    %select_n3A_516 = arith.select %eq3A_513, %iota3A_511, %broadcast_in_dim3A_515 : vector<512x512xi1>, vector<512x512xi32>
    %reduce_min3A_517 = arith.constant dense<2147483647> : vector<512xi32>
    %reduce_min3A_518 = vector.multi_reduction <minsi>, %select_n3A_516, %reduce_min3A_517 [0] : vector<512x512xi32> to vector<512xi32>
    %broadcast_in_dim3A_519 = vector.shape_cast %reduce_min3A_518 : vector<512xi32> to vector<1x512xi32>
    %add3A_520 = vector.broadcast %mul3A_495 : i32 to vector<1x512xi32>
    %add3A_521 = arith.addi %broadcast_in_dim3A_519, %add3A_520 : vector<1x512xi32>
    %gt3A_522 = arith.cmpf ogt, %broadcast_in_dim3A_510, %select_n3A_491 : vector<1x512xf32>
    %select_n3A_523 = arith.select %gt3A_522, %broadcast_in_dim3A_510, %select_n3A_491 : vector<1x512xi1>, vector<1x512xf32>
    %select_n3A_524 = arith.select %gt3A_522, %add3A_521, %select_n3A_492 : vector<1x512xi1>, vector<1x512xi32>
    %scan3A_525 = arith.constant 16 : i32
    %swap3A = arith.constant 0 : index
    %swap3A_526 = arith.constant 0 : index
    %swap3A_527 = arith.constant 0 : index
    %swap3A_528 = vector.load %arg7[%swap3A, %swap3A_526, %swap3A_527] : memref<1x1x512xi32, #tpu.memory_space<vmem>>, vector<1x1x512xi32>
    %swap3A_529 = vector.shape_cast %swap3A_528 : vector<1x1x512xi32> to vector<1x512xi32>
    %swap3A_530 = vector.shape_cast %select_n3A_524 : vector<1x512xi32> to vector<1x1x512xi32>
    tpu.vector_store %arg7[%swap3A, %swap3A_526, %swap3A_527], %swap3A_530 {strides = array<i32>} : memref<1x1x512xi32, #tpu.memory_space<vmem>>, vector<1x1x512xi32>,
    %mul3A_531 = arith.mulf %max3A_18, %max3A_18 : vector<256x512xf32>
    %reduce_sum3A = vector.shape_cast %mul3A_531 : vector<256x512xf32> to vector<1x256x512xf32>
    %reduce_sum3A_532 = arith.constant dense<0.000000e+00> : vector<1xf32>
    %reduce_sum3A_533 = vector.multi_reduction <add>, %reduce_sum3A, %reduce_sum3A_532 [1, 2] : vector<1x256x512xf32> to vector<1xf32>
    %reduce_sum3A_534 = vector.shape_cast %reduce_sum3A_533 : vector<1xf32> to vector<1x1x1xf32>
    %reduce_sum3A_535 = vector.extract %reduce_sum3A_534[0, 0, 0] : f32 from vector<1x1x1xf32>
    %reduce_sum3A_536 = vector.shape_cast %select_n3A_523 : vector<1x512xf32> to vector<1x1x512xf32>
    %reduce_sum3A_537 = arith.constant dense<0.000000e+00> : vector<1xf32>
    %reduce_sum3A_538 = vector.multi_reduction <add>, %reduce_sum3A_536, %reduce_sum3A_537 [1, 2] : vector<1x1x512xf32> to vector<1xf32>
    %reduce_sum3A_539 = vector.shape_cast %reduce_sum3A_538 : vector<1xf32> to vector<1x1x1xf32>
    %reduce_sum3A_540 = vector.extract %reduce_sum3A_539[0, 0, 0] : f32 from vector<1x1x1xf32>
    %mul3A_541 = arith.constant 2.000000e+00 : f32
    %mul3A_542 = arith.mulf %mul3A_541, %reduce_sum3A_540 : f32
    %sub3A_543 = arith.subf %reduce_sum3A_535, %mul3A_542 : f32
    %eq3A_544 = arith.constant 0 : i32
    %eq3A_545 = arith.cmpi eq, %arg0, %eq3A_544 : i32
    %get3A_546 = arith.constant 0 : index
    %get3A_547 = arith.constant 0 : index
    %get3A_548 = memref.load %arg8[%get3A_546, %get3A_547] : memref<1x1xf32, #tpu.memory_space<smem>>
    %jit3A_549 = arith.constant 0.000000e+00 : f32
    %select_n3A_550 = arith.select %eq3A_545, %jit3A_549, %get3A_548 : f32
    %add3A_551 = arith.addf %select_n3A_550, %sub3A_543 : f32
    %eq3A_552 = arith.constant 7 : i32
    %eq3A_553 = arith.cmpi eq, %arg0, %eq3A_552 : i32
    %jit3A_554 = arith.constant 1.1920929E-6 : f32
    %jit3A_555 = arith.constant 1.000000e+00 : f32
    %select_n3A_556 = arith.select %eq3A_553, %jit3A_554, %jit3A_555 : f32
    %mul3A_557 = arith.mulf %add3A_551, %select_n3A_556 : f32
    %swap3A_558 = arith.constant 0 : index
    %swap3A_559 = arith.constant 0 : index
    %swap3A_560 = memref.load %arg8[%swap3A_558, %swap3A_559] : memref<1x1xf32, #tpu.memory_space<smem>>
    memref.store %mul3A_557, %arg8[%swap3A_558, %swap3A_559] : memref<1x1xf32, #tpu.memory_space<smem>>
    return
  }
  func.func @transform_0(%arg0: i32) -> (i32, i32, i32, i32, i32) {
    %jit3A = arith.constant 2 : i32
    %div3A = arith.divsi %arg0, %jit3A : i32
    %sign3A = arith.constant 0 : i32
    %sign3A_0 = arith.cmpi sgt, %arg0, %sign3A : i32
    %sign3A_1 = arith.extui %sign3A_0 : i1 to i32
    %sign3A_2 = arith.constant 0 : i32
    %sign3A_3 = arith.cmpi slt, %arg0, %sign3A_2 : i32
    %sign3A_4 = arith.extui %sign3A_3 : i1 to i32
    %sign3A_5 = arith.subi %sign3A_1, %sign3A_4 : i32
    %sign3A_6 = arith.constant 0 : i32
    %sign3A_7 = arith.cmpi sgt, %jit3A, %sign3A_6 : i32
    %sign3A_8 = arith.extui %sign3A_7 : i1 to i32
    %sign3A_9 = arith.constant 0 : i32
    %sign3A_10 = arith.cmpi slt, %jit3A, %sign3A_9 : i32
    %sign3A_11 = arith.extui %sign3A_10 : i1 to i32
    %sign3A_12 = arith.subi %sign3A_8, %sign3A_11 : i32
    %ne3A = arith.cmpi ne, %sign3A_5, %sign3A_12 : i32
    %rem3A = arith.remsi %arg0, %jit3A : i32
    %ne3A_13 = arith.constant 0 : i32
    %ne3A_14 = arith.cmpi ne, %rem3A, %ne3A_13 : i32
    %and3A = arith.andi %ne3A, %ne3A_14 : i1
    %sub3A = arith.constant 1 : i32
    %sub3A_15 = arith.subi %div3A, %sub3A : i32
    %select_n3A = arith.select %and3A, %sub3A_15, %div3A : i32
    %jit3A_16 = arith.constant 2 : i32
    %eq3A = arith.constant 0 : i32
    %eq3A_17 = arith.cmpi eq, %jit3A_16, %eq3A : i32
    %jit3A_18 = arith.constant 1 : i32
    %select_n3A_19 = arith.select %eq3A_17, %jit3A_18, %jit3A_16 : i32
    %rem3A_20 = arith.remsi %arg0, %select_n3A_19 : i32
    %ne3A_21 = arith.constant 0 : i32
    %ne3A_22 = arith.cmpi ne, %rem3A_20, %ne3A_21 : i32
    %lt3A = arith.constant 0 : i32
    %lt3A_23 = arith.cmpi slt, %rem3A_20, %lt3A : i32
    %lt3A_24 = arith.constant 0 : i32
    %lt3A_25 = arith.cmpi slt, %select_n3A_19, %lt3A_24 : i32
    %ne3A_26 = arith.xori %lt3A_23, %lt3A_25 : i1
    %and3A_27 = arith.andi %ne3A_26, %ne3A_22 : i1
    %add3A = arith.addi %rem3A_20, %select_n3A_19 : i32
    %select_n3A_28 = arith.select %and3A_27, %add3A, %rem3A_20 : i32
    %c0_i32 = arith.constant 0 : i32
    %c0_i32_29 = arith.constant 0 : i32
    %c0_i32_30 = arith.constant 0 : i32
    %c0_i32_31 = arith.constant 0 : i32
    return %select_n3A, %c0_i32, %select_n3A_28, %c0_i32_29, %c0_i32_30 : i32, i32, i32, i32, i32
  }
  func.func @transform_1(%arg0: i32) -> (i32, i32) {
    %c0_i32 = arith.constant 0 : i32
    %c0_i32_0 = arith.constant 0 : i32
    %c0_i32_1 = arith.constant 0 : i32
    return %c0_i32, %c0_i32_0 : i32, i32
  }
  func.func @transform_2(%arg0: i32) -> (i32, i32) {
    %c0_i32 = arith.constant 0 : i32
    %c0_i32_0 = arith.constant 0 : i32
    %c0_i32_1 = arith.constant 0 : i32
    return %c0_i32, %c0_i32_0 : i32, i32
  }
  func.func @transform_3(%arg0: i32) -> (i32, i32) {
    %c0_i32 = arith.constant 0 : i32
    %c0_i32_0 = arith.constant 0 : i32
    %c0_i32_1 = arith.constant 0 : i32
    return %c0_i32, %c0_i32_0 : i32, i32
  }
  func.func @transform_4(%arg0: i32) -> (i32, i32) {
    %c0_i32 = arith.constant 0 : i32
    %c0_i32_0 = arith.constant 0 : i32
    %c0_i32_1 = arith.constant 0 : i32
    return %c0_i32, %c0_i32_0 : i32, i32
  }
  func.func @transform_5(%arg0: i32) -> (i32, i32) {
    %c0_i32 = arith.constant 0 : i32
    %c0_i32_0 = arith.constant 0 : i32
    %c0_i32_1 = arith.constant 0 : i32
    return %c0_i32, %c0_i32_0 : i32, i32
  }
  func.func @transform_6(%arg0: i32) -> (i32, i32, i32) {
    %c0_i32 = arith.constant 0 : i32
    %c0_i32_0 = arith.constant 0 : i32
    %c0_i32_1 = arith.constant 0 : i32
    return %arg0, %c0_i32, %c0_i32_0 : i32, i32, i32
  }
  func.func @transform_7(%arg0: i32) -> (i32, i32) {
    %c0_i32 = arith.constant 0 : i32
    %c0_i32_0 = arith.constant 0 : i32
    %c0_i32_1 = arith.constant 0 : i32
    return %c0_i32, %c0_i32_0 : i32, i32
  }
  func.func @transform_8(%arg0: i32) -> (i32, i32) {
    %c0_i32 = arith.constant 0 : i32
    %c0_i32_0 = arith.constant 0 : i32
    %c0_i32_1 = arith.constant 0 : i32
    return %c0_i32, %c0_i32_0 : i32, i32
  }
}

</mosaic_0001>

<sc_bundles>
// kernel: kernel.5.cloned.1.call-start
scs
__scs_entry_jumppad:
0x0: {  	(pc) =	sbr.rel $0x88, $3  }
0x1: {  	(tag) =	ssettag $0x0;
	lr =	simm.s32 $0x1  }
0x2: {  	[smem:$0x3F9B] =	sst lr;
	_ =	strace $0xD0000000  }
0x3: {  	_ = 	snop  }
0x4: {  	_ = 	snop  }
0x5: {  	_ = 	snop  }
0x6: {  	_ = 	snop  }
0x7: {  	_ = 	snop  }
__scs_overlays_trampoline_lowered:
0x8: {  	[smem:$0x3FAA] =	sst s0  }
0x9: {  	[smem:$0x3FAB] =	sst s1  }
0xa: {  	[smem:$0x3FAC] =	sst s2  }
0xb: {  	[smem:$0x3FAD] =	sst s3  }
0xc: {  	[smem:$0x3FAE] =	sst s4  }
0xd: {  	[smem:$0x3FAF] =	sst s5  }
0xe: {  	[smem:$0x3FB0] =	sst s6  }
0xf: {  	[smem:$0x3FB1] =	sst s7  }
0x10: {  	[smem:$0x3FB2] =	sst s8  }
0x11: {  	[smem:$0x3FB3] =	sst s9;
	s0 =	simm.s32 @!p0 $0x0  }
0x12: {  	s1 =	sld [smem:$0x3F99];
	s0 =	simm.s32 @p0 $0x1  }
0x13: {  	[smem:$0x3FB4] =	sst s0;
	s0 =	simm.s32 @!p1 $0x0  }
0x14: {  	s2 =	sld [smem:$0x3F98];
	s0 =	simm.s32 @p1 $0x1  }
0x15: {  	[smem:$0x3FB5] =	sst s0;
	s0 =	simm.s32 @!p2 $0x0  }
0x16: {  	s3 =	sld [smem:$0x3FDB];
	s0 =	simm.s32 @p2 $0x1  }
0x17: {  	s4 =	simm.s32 $0x1BF5;
	[smem:$0x3FB7] =	sst s0  }
0x18: {  	s0 =	sld [smem:$0x3F9A];
	_ =	swait.ge [sflag:s4], $0x0  }
0x19: {  	s7 =	sld [smem:$0x3F9B]  }
0x1a: {  	s8 =	sadd.s32 $0xFFFFE003, lr  }
0x1b: {  	s9 =	sadd.s32 $0xFFFFFEF7, lr;
	s5 =	simm.s32 $0xFFFFFFFF;
	p2 =	slt.u32 s8, $0xFFFFF086  }
0x1c: {  	p1 =	slt.u32 s9, $0xF7A;
	s5 =	simm.s32 @!p2 $0x0  }
0x1d: {  	s5 =	simm.s32 @p1 $0x1;
	p0 =	seq.s32 s7, s2  }
0x1e: {  	s7 =	smul.u32 @!p0 $0xF7A, s2;
	p2 =	seq.s32 @!p0 s5, $0x0  }
0x1f: {  	s9 =	smul.u32 $0xF7A, s1;
	s8 =	simm.s32 @!p0 $0x1BF5;
	p2 =	por !p2, p0  }
0x20: {  	[sflag:s8] =	ssyncset.s32 @!p0 $0xFFFFF086;
	s6 =	sadd.s32 @!p0 s3, s7;
	s7 =	simm.s32 @!p0 $0x108  }
0x21: {  	s3 =	sadd.s32 s3, s9;
	s6 =	sadd.s32 @!p0 $0x88, s6;
	s7 =	simm.s32 @p2 $0x1082  }
0x22: {  	[simem:s7], [sflag:s8] =	dma.local @!p0 [hbm:s6], $0xF7A  }
0x23: {  	s9 =	sor.u32 $0xD0000000, s2;
	s6 =	simm.s32 $0x108;
	_ =	swait.ge @!p0 [sflag:s8], $0x0  }
0x24: {  	s3 =	sadd.s32 $0x88, s3;
	s6 =	simm.s32 @!p1 $0x1082;
	[sflag:s4] =	ssyncset.s32 $0xFFFFF086  }
0x25: {  	[simem:s6], [sflag:s4] =	dma.local [hbm:s3], $0xF7A  }
0x26: {  	[smem:$0x3F9B] =	sst s1;
	(tag) =	ssettag s2;
	_ =	strace s9  }
0x27: {  	s1 =	sld [smem:$0x3FAB]  }
0x28: {  	s2 =	sld [smem:$0x3FAC]  }
0x29: {  	s4 =	sld [smem:$0x3FAE]  }
0x2a: {  	p0 =	seq.s32 s5, $0x0;
	s5 =	sld [smem:$0x3FAF]  }
0x2b: {  	s6 =	sld [smem:$0x3FB0]  }
0x2c: {  	s7 =	sld [smem:$0x3FB1]  }
0x2d: {  	s3 =	simm.s32 $0x108;
	s8 =	sld [smem:$0x3FB2]  }
0x2e: {  	s3 =	simm.s32 @!p0 $0x1082;
	s9 =	sld [smem:$0x3FB3]  }
0x2f: {  	lr =	sadd.s32 s0, s3;
	s0 =	sld [smem:$0x3FAA]  }
0x30: {  	s3 =	sld [smem:$0x3FAD]  }
0x31: {  	[smem:$0x3FB6] =	sst s10  }
0x32: {  	s10 =	sld [smem:$0x3FB4];
	_ =	sdelay $0x3  }
0x33: {  	p0 =	seq.s32 s10, $0x1;
	s10 =	sld [smem:$0x3FB6];
	_ =	sdelay $0x3  }
0x34: {  	[smem:$0x3FB6] =	sst s10  }
0x35: {  	s10 =	sld [smem:$0x3FB5];
	_ =	sdelay $0x3  }
0x36: {  	p1 =	seq.s32 s10, $0x1;
	s10 =	sld [smem:$0x3FB6];
	_ =	sdelay $0x3  }
0x37: {  	[smem:$0x3FB6] =	sst s10  }
0x38: {  	s10 =	sld [smem:$0x3FB7]  }
0x39: {  	_ = 	snop;
	(pc) =	sbr.ind lr, $3  }
0x3a: {  	_ = 	snop  }
0x3b: {  	_ = 	snop  }
0x3c: {  	p2 =	seq.s32 s10, $0x1;
	s10 =	sld [smem:$0x3FB6]  }
0x3d: {  	_ =	shalt  }
0x3e: {  	_ =	shalt  }
0x3f: {  	_ =	shalt  }
0x40: {  	_ =	shalt  }
0x41: {  	_ =	shalt  }
0x42: {  	_ =	shalt  }
0x43: {  	_ =	shalt  }
0x44: {  	_ =	shalt  }
0x45: {  	_ =	shalt  }
0x46: {  	_ =	shalt  }
0x47: {  	_ =	shalt  }
0x48: {  	_ =	shalt  }
0x49: {  	_ =	shalt  }
0x4a: {  	_ =	shalt  }
0x4b: {  	_ =	shalt  }
0x4c: {  	_ =	shalt  }
0x4d: {  	_ =	shalt  }
0x4e: {  	_ =	shalt  }
0x4f: {  	_ =	shalt  }
0x50: {  	_ =	shalt  }
0x51: {  	_ =	shalt  }
0x52: {  	_ =	shalt  }
0x53: {  	_ =	shalt  }
0x54: {  	_ =	shalt  }
0x55: {  	_ =	shalt  }
0x56: {  	_ =	shalt  }
0x57: {  	_ =	shalt  }
0x58: {  	_ =	shalt  }
0x59: {  	_ =	shalt  }
0x5a: {  	_ =	shalt  }
0x5b: {  	_ =	shalt  }
0x5c: {  	_ =	shalt  }
0x5d: {  	_ =	shalt  }
0x5e: {  	_ =	shalt  }
0x5f: {  	_ =	shalt  }
0x60: {  	_ =	shalt  }
0x61: {  	_ =	shalt  }
0x62: {  	_ =	shalt  }
0x63: {  	_ =	shalt  }
0x64: {  	_ =	shalt  }
0x65: {  	_ =	shalt  }
0x66: {  	_ =	shalt  }
0x67: {  	_ =	shalt  }
0x68: {  	_ =	shalt  }
0x69: {  	_ =	shalt  }
0x6a: {  	_ =	shalt  }
0x6b: {  	_ =	shalt  }
0x6c: {  	_ =	shalt  }
0x6d: {  	_ =	shalt  }
0x6e: {  	_ =	shalt  }
0x6f: {  	_ =	shalt  }
0x70: {  	_ =	shalt  }
0x71: {  	_ =	shalt  }
0x72: {  	_ =	shalt  }
0x73: {  	_ =	shalt  }
0x74: {  	_ =	shalt  }
0x75: {  	_ =	shalt  }
0x76: {  	_ =	shalt  }
0x77: {  	_ =	shalt  }
0x78: {  	_ =	shalt  }
0x79: {  	_ =	shalt  }
0x7a: {  	_ =	shalt  }
0x7b: {  	_ =	shalt  }
0x7c: {  	_ =	shalt  }
0x7d: {  	_ =	shalt  }
0x7e: {  	_ =	shalt  }
0x7f: {  	_ =	shalt  }
0x80: {  	_ =	shalt  }
0x81: {  	_ =	shalt  }
0x82: {  	_ =	shalt  }
0x83: {  	_ =	shalt  }
0x84: {  	_ =	shalt  }
0x85: {  	_ =	shalt  }
0x86: {  	_ =	shalt  }
0x87: {  	_ =	shalt  }
.Lfunc_end0:
.L_simem_size_0:
called_computation_lowered:
.L_overlay_start_0:
0x88: {  	s2 =	sld [smem:$0x3FD9]  }
0x89: {  	s3 =	sld [smem:$0x3FFE];
	_ =	sdelay $0x1  }
0x8a: {  	s1 =	srdreg.scid  }
0x8b: {  	s0 =	sand.u32 $0x1, s1  }
0x8c: {  	s14 =	sshll.u32 s0, $0xA;
	s2 =	sadd.s32 s3, s2  }
0x8d: {  	s2 =	sadd.s32 s2, s14  }
0x8e: {  	[smem:$0x3FC2] =	sst s2  }
0x8f: {  	_ = 	snop  }
0x90: {  	s2 =	sld [smem:$0x3FD0];
	_ =	sdelay $0x2  }
0x91: {  	s15 =	simm.s32 $0xA;
	s4 =	simm.s32 $0x10  }
0x92: {  	[smem:s4], [sflag:s15] =	dma.local [hbm:s2], $0x1  }
0x93: {  	_ =	swait.eq [sflag:s15], $0x1  }
0x94: {  	[sflag:s15] =	ssyncset.done $0x0  }
0x95: {  	[sflag:s15] =	ssyncadd.s32 $0xFFFFFFFF  }
0x96: {  	s16 =	sld [smem:$0x10];
	(tm) =	ssettm $0x1  }
0x97: {  	s17 =	sld [smem:$0x3FFB];
	_ =	sdelay $0x3  }
0x98: {  	_ =	strace s17  }
0x99: {  	s3 =	sld [smem:$0x3FFC];
	_ =	sdelay $0x3  }
0x9a: {  	_ =	strace s3  }
0x9b: {  	s3 =	sld [smem:$0x3FFD];
	_ =	sdelay $0x3  }
0x9c: {  	_ =	strace s3  }
0x9d: {  	_ =	strace $0x8FFFFFFF  }
0x9e: {  	s18 =	sld [smem:$0x3FDB];
	_ =	sdelay $0x1  }
0x9f: {  	s19 =	simm.s32 $_scs_section_size  }
0xa0: {  	s5 =	simm.s32 $_size__tile_overlayer_lowered;
	s6 =	simm.s32 $_tile_overlayer_lowered  }
0xa1: {  	s22 =	simm.s32 $0x1BFF;
	s21 =	sshll.u32 s6, $0x1;
	s3 =	sadd.s32 s19, s18  }
0xa2: {  	s7 =	simm.s32 $0x0;
	s20 =	sshll.u32 s5, $0x1;
	s5 =	sadd.s32 s21, s3  }
0xa3: {  	[timem:s7], [sflag:s22] =	dma.local [hbm:s5], s20  }
0xa4: {  	_ =	swait.ge [sflag:s22], s20  }
0xa5: {  	s4 =	ssub.s32 $0x0, s20;
	[sflag:s22] =	ssyncset.done $0x0  }
0xa6: {  	[sflag:s22] =	ssyncadd.s32 s4;
	_ =	sdelay $0x1  }
0xa7: {  	s23 =	simm.s32 $0x1B8B  }
0xa8: {  	_ =	swait.ge [sflag:s23], $0x1  }
0xa9: {  	[sflag:s23] =	ssyncset.done $0x0  }
0xaa: {  	s25 =	simm.s32 $0x1B8E;
	s24 =	sld [smem:$0x3FFE];
	[sflag:s23] =	ssyncadd.s32 $0xFFFFFFFF  }
0xab: {  	s26 =	simm.s32 $execute0_lowered;
	[smem:$0x3FD2] =	sst s25  }
0xac: {  	s5 =	sshll.u32 s26, $0x1;
	_ =	strace $0x80000046;
	[dreg:$0x1] =	wrdreg $0xFFFFFFFF  }
0xad: {  	s28 =	simm.s32 $_size_execute0_lowered;
	s3 =	sadd.s32 s3, s5;
	[dreg:$0x0] =	wrdreg $0x0  }
0xae: {  	s5 =	sshll.u32 s28, $0x1;
	[dreg:$0x2] =	wrdreg s3  }
0xaf: {  	[dreg:$0x3] =	wrdreg s5  }
0xb0: {  	[dreg:$0x4] =	wrdreg $0xC0  }
0xb1: {  	_ =	task [dreg:s7], $0x5FFFF  }
0xb2: {  	[dreg:$0x1] =	wrdreg $0xFFFFFFFF  }
0xb3: {  	[dreg:$0x0] =	wrdreg $0x60  }
0xb4: {  	[dreg:$0x2] =	wrdreg s24  }
0xb5: {  	[dreg:$0x3] =	wrdreg s16  }
0xb6: {  	[dreg:$0x4] =	wrdreg $0x9  }
0xb7: {  	_ =	task.clear_ibuf [dreg:s7], $0x5FFFF;
	_ =	strace $0x90000046  }
0xb8: {  	s29 =	simm.s32 $0x9;
	_ =	strace $0x80000048  }
0xb9: {  	_ =	swait.ge [sflag:s29], $0x1  }
0xba: {  	[sflag:s29] =	ssyncadd.s32 $0xFFFFFFFF  }
0xbb: {  	_ =	strace $0x90000048  }
0xbc: {  	_ =	sfence  }
0xbd: {  	s30 =	sld [smem:$0x0];
	_ =	sdelay $0x2  }
0xbe: {  	s31 =	sshll.u32 s1, $0xD;
	s1 =	sshrl.u32 s1, $0x2  }
0xbf: {  	s3 =	sand.u32 $0x4000, s31;
	s1 =	sadd.s32 s1, s30  }
0xc0: {  	s0 =	sor.u32 s3, s0;
	s1 =	sshll.u32 s1, $0x11  }
0xc1: {  	s0 =	sor.u32 s1, s0  }
0xc2: {  	s0 =	sadd.s32 $0x8F2B, s0  }
0xc3: {  	[sflag:s0] =	ssyncadd.remote.s32 $0x1  }
0xc4: {  	_ =	sfence.sel $0xFFFF  }
0xc5: {  	[dreg:$0x0] =	wrdreg $0xFFFFFFFF;
	(pc) =	sbr.abs _section_cstart, $3  }
0xc6: {  	[dreg:$0x1] =	wrdreg $0xFFFFFFFF  }
0xc7: {  	_ =	task.clear_ibuf [dreg:s7], $0x2FFFF;
	_ =	strace $0x9FFFFFFF  }
0xc8: {  	(tm) =	ssettm $0x7FFFFFFF  }
0xc9: {  	_ =	shalt  }
tec
execute0_lowered:
.L_overlay_start_1:
0x0: {  	(tag) =	ssettag $0x1  }
0x1: {  	s1 =	srdreg.scid  }
0x2: {  	s8 =	rddreg [dreg:$0x0];
	s0 =	stileid.u32  }
0x3: {  	s3 =	rddreg [dreg:$0x1];
	s2 =	simm.s32 $0x0;
	s6 =	sand.u32 $0x1, s1  }
0x4: {  	s4 =	sshll.u32 s0, $0x8;
	s1 =	rddreg [dreg:$0x2];
	s5 =	sshll.u32 s6, $0x7  }
0x5: {  	s7 =	simm.s32 $0x1;
	[smem:$0x7FF] =	sst s2;
	s9 =	sor.u32 s5, s4  }
0x6: {  	_ =	strace $0x80000047;
	s10 =	ssub.s32 $0x2, s6;
	s4 =	sshrl.u32 s9, $0x3  }
0x7: {  	s6 =	simm.s32 $0x80;
	s4 =	sadd.s32 s3, s4;
	s3 =	simm.s32 $0x2  }
0x8: {  	[tilespmem:s2], [sflag:$0x2] =	stream.linear.gather [hbm4b:s4+s2], $0x80, $0x38;
	[tilespmem:$0x4080] =	vst v63  }
0x9: {  	s5 =	sadd.s32 $0x1000, s8;
	s11 =	sshrl.u32 s10, $0x1;
	_ =	swait.ge [sflag:s3], $0x80  }
0xa: {  	s9 =	sshll.u32 s9, $0x4;
	s31 =	ssub.s32 s10, s11;
	[sflag:s3] =	ssyncset.done $0x0  }
0xb: {  	s8 =	sadd.s32 s9, s8;
	s9 =	smax.u32 s31, $0x1;
	[sflag:s3] =	ssyncadd.s32 $0xFFFFFF80  }
0xc: {  	[tilespmem:s6], [sflag:$0x1] =	stream.indirect.gather [hbm4b:s5+s6], $0x80, s2, s6, $0xb8;
	[tilespmem:$0x4080] =	vst v63  }
0xd: {  	p0 =	sne.s32 s9, $0x1;
	_ =	swait.ge [sflag:s7], $0x4000  }
.Ltmp0:
0xe: {  	[sflag:s7] =	ssyncset.done $0x0;
	(pc) =	sbr.rel @!p0 .LBB2_2-.Ltmp0, $4  }
0xf: {  	s8 =	sadd.s32 $0x21000, s8;
	[sflag:s7] =	ssyncadd.s32 $0xFFFFC000  }
0x10: {  	[hbm4b:s8+s2] =	stream.linear.scatter [tilespmem:s6], [sflag:$0x2], $0x4000, $0x38;
	[tilespmem:$0x4080] =	vst v63  }
0x11: {  	_ =	swait.ge [sflag:s3], $0x4000  }
0x12: {  	s9 =	sadd.s32 $0xFFFFFFFF, s9;
	[sflag:s3] =	ssyncset.done $0x0  }
.LBB2_1:
0x13: {  	p0 =	sne.s32 s9, $0x1;
	s9 =	sadd.s32 $0xFFFFFFFF, s9;
	[sflag:s3] =	ssyncadd.s32 $0xFFFFC000  }
0x14: {  	[tilespmem:s2], [sflag:$0x2] =	stream.linear.gather [hbm4b:s4+s2], $0x80, $0x38;
	[tilespmem:$0x4080] =	vst v63  }
0x15: {  	_ =	swait.ge [sflag:s3], $0x80  }
0x16: {  	[sflag:s3] =	ssyncset.done $0x0  }
0x17: {  	[sflag:s3] =	ssyncadd.s32 $0xFFFFFF80  }
0x18: {  	[tilespmem:s6], [sflag:$0x1] =	stream.indirect.gather [hbm4b:s5+s6], $0x80, s2, s6, $0xb8;
	[tilespmem:$0x4080] =	vst v63  }
0x19: {  	_ =	swait.ge [sflag:s7], $0x4000  }
.Ltmp1:
0x1a: {  	[sflag:s7] =	ssyncset.done $0x0;
	(pc) =	sbr.rel @p0 .LBB2_1-.Ltmp1, $4  }
0x1b: {  	[sflag:s7] =	ssyncadd.s32 $0xFFFFC000  }
0x1c: {  	[hbm4b:s8+s2] =	stream.linear.scatter [tilespmem:s6], [sflag:$0x2], $0x4000, $0x38;
	[tilespmem:$0x4080] =	vst v63  }
0x1d: {  	_ =	swait.ge [sflag:s3], $0x4000  }
0x1e: {  	[sflag:s3] =	ssyncset.done $0x0  }
.LBB2_2:
0x1f: {  	[sflag:s3] =	ssyncadd.s32 $0xFFFFC000  }
0x20: {  	_ =	sfence.sel $0x180000  }
0x21: {  	[bflag:$0x0] =	sbarrier.arrive $0xFFFF  }
0x22: {  	p0 =	sne.s32 s0, $0x0;
	_ =	strace $0x90000047  }
0x23: {  	s0 =	sadd.s32 @!p0 $0x100000, s1;
	[bflag:$0x2] =	sbarrier.arrive $0xFFFF  }
0x24: {  	[sflag:s0] =	ssyncadd.tile.s32 @!p0 $0x1;
	_ =	shalt  }
.Lfunc_end2:
_tile_overlayer_lowered:
.L_overlay_start_2:
0x25: {  	(tag) =	ssettag $0x2  }
0x26: {  	s0 =	rddreg [dreg:$0x0];
	s2 =	stileid.u32  }
0x27: {  	s1 =	rddreg [dreg:$0x1];
	p0 =	sne.s32 s2, $0x0  }
0x28: {  	s3 =	rddreg [dreg:$0x2];
	[bflag:$0x3] =	sbarrier.arrive $0xFFFF;
	s2 =	simm.s32 @!p0 $0x1C02  }
0x29: {  	[timem:s3], [sflag:s2] =	dma.local @!p0 [hbm:s0], s1  }
0x2a: {  	s0 =	simm.s32 @!p0 $0x2  }
0x2b: {  	_ =	swait.ge @!p0 [sflag:s0], s1  }
0x2c: {  	s1 =	ssub.s32 @!p0 $0x0, s1;
	[sflag:s0] =	ssyncset.done @!p0 $0x0  }
0x2d: {  	[sflag:s0] =	ssyncadd.s32 @!p0 s1  }
0x2e: {  	[bflag:$0x3] =	sbarrier.arrive $0xFFFF  }
0x2f: {  	_ =	shalt  }

</sc_bundles>
